<compile_context>
chip_gen: v7x
topology: tpu7x:2x2x1
jax: 0.10.2.dev20260603
libtpu: 0.0.44.dev20260713+nightly
codegen_flags: <defaults>
</compile_context>

<pallas_src>
import jax
import jax.numpy as jnp
from jax import lax
from jax.experimental import pallas as pl
from jax.experimental.pallas import tpu as pltpu
from jax.experimental.pallas import tpu_sc as plsc

Fh = 64
Fv = 64
Fe = 16
B_EVENTS = 4096
N_SLOTS = 512
N_PAIRS = N_SLOTS // 2
PAIR_ROWS = B_EVENTS * N_PAIRS

SC_CORES = 2
SC_SUBCORES = 16
NW = SC_CORES * SC_SUBCORES
ROWS_PER_W = B_EVENTS // NW


def _sc_gather_body(hrows_hbm, esrc_hbm, edst_hbm, hsrc_out, hdst_out,
                    ev_src, ev_dst, idx_src, idx_dst, rows_src, rows_dst,
                    sem_a, sem_b):
    wid = lax.axis_index("s") * SC_CORES + lax.axis_index("c")
    base = wid * ROWS_PER_W
    pltpu.sync_copy(esrc_hbm.at[pl.ds(base, ROWS_PER_W)], ev_src)
    pltpu.sync_copy(edst_hbm.at[pl.ds(base, ROWS_PER_W)], ev_dst)
    lane = lax.iota(jnp.int32, 16)
    for k in range(ROWS_PER_W // 16):
        row0 = (base + k * 16) * N_SLOTS
        idx_src[pl.ds(k * 16, 16)] = lax.shift_right_logical(
            ev_src[pl.ds(k * 16, 16)] + lane * N_SLOTS + row0, 1)
        idx_dst[pl.ds(k * 16, 16)] = lax.shift_right_logical(
            ev_dst[pl.ds(k * 16, 16)] + lane * N_SLOTS + row0, 1)
    cp_a = pltpu.async_copy(hrows_hbm.at[idx_src], rows_src, sem_a)
    cp_b = pltpu.async_copy(hrows_hbm.at[idx_dst], rows_dst, sem_b)
    cp_a.wait()
    cp_b.wait()
    pltpu.sync_copy(rows_src, hsrc_out.at[pl.ds(base, ROWS_PER_W)])
    pltpu.sync_copy(rows_dst, hdst_out.at[pl.ds(base, ROWS_PER_W)])


def _sc_gather(hrows, esrc, edst):
    mesh = plsc.VectorSubcoreMesh(core_axis_name="c", subcore_axis_name="s")
    f32 = jnp.float32
    return pl.kernel(
        _sc_gather_body,
        out_type=[jax.ShapeDtypeStruct((B_EVENTS, 2 * Fh), f32),
                  jax.ShapeDtypeStruct((B_EVENTS, 2 * Fh), f32)],
        mesh=mesh,
        scratch_types=[
            pltpu.VMEM((ROWS_PER_W,), jnp.int32),
            pltpu.VMEM((ROWS_PER_W,), jnp.int32),
            pltpu.VMEM((ROWS_PER_W,), jnp.int32),
            pltpu.VMEM((ROWS_PER_W,), jnp.int32),
            pltpu.VMEM((ROWS_PER_W, 2 * Fh), f32),
            pltpu.VMEM((ROWS_PER_W, 2 * Fh), f32),
            pltpu.SemaphoreType.DMA,
            pltpu.SemaphoreType.DMA,
        ],
    )(hrows, esrc, edst)


def _gru_gates(gi, gh, h):
    i_r, i_z, i_n = gi[:, :Fh], gi[:, Fh:2 * Fh], gi[:, 2 * Fh:]
    h_r, h_z, h_n = gh[:, :Fh], gh[:, Fh:2 * Fh], gh[:, 2 * Fh:]
    r = jax.nn.sigmoid(i_r + h_r)
    z = jax.nn.sigmoid(i_z + h_z)
    n = jnp.tanh(i_n + r * h_n)
    return (1.0 - z) * n + z * h


def _gru_body(pair_src_ref, pair_dst_ref, psrc_ref, pdst_ref, same_ref,
              xsh_ref,
              w1o_ref, w2o_ref, who_ref, bio_ref, bho_ref,
              w1i_ref, w2i_ref, whi_ref, bii_ref, bhi_ref,
              hsrc_new_ref, hdst_new_ref, pso_ref, pdo_ref):
    ps = psrc_ref[...] == 1
    pd = pdst_ref[...] == 1
    same = same_ref[...] == 1
    src_lo, src_hi = pair_src_ref[:, :Fh], pair_src_ref[:, Fh:]
    dst_lo, dst_hi = pair_dst_ref[:, :Fh], pair_dst_ref[:, Fh:]
    hs = jnp.where(ps, src_hi, src_lo)
    hd = jnp.where(pd, dst_hi, dst_lo)
    xsh = xsh_ref[...]
    f32 = jnp.float32
    gi = (jnp.dot(hd, w1o_ref[...], preferred_element_type=f32)
          + jnp.dot(xsh, w2o_ref[...], preferred_element_type=f32)
          + bio_ref[...])
    gh = jnp.dot(hs, who_ref[...], preferred_element_type=f32) + bho_ref[...]
    hs_new = _gru_gates(gi, gh, hs)
    hsrc_new_ref[...] = hs_new
    gi = (jnp.dot(hs, w1i_ref[...], preferred_element_type=f32)
          + jnp.dot(xsh, w2i_ref[...], preferred_element_type=f32)
          + bii_ref[...])
    gh = jnp.dot(hd, whi_ref[...], preferred_element_type=f32) + bhi_ref[...]
    hd_new = _gru_gates(gi, gh, hd)
    hdst_new_ref[...] = hd_new
    pso_ref[...] = jnp.concatenate(
        [jnp.where(ps, src_lo, hs_new), jnp.where(ps, hs_new, src_hi)],
        axis=1)
    out_lo = jnp.where(same & (~ps) & pd, hs_new, dst_lo)
    out_hi = jnp.where(same & ps & (~pd), hs_new, dst_hi)
    out_lo = jnp.where(~pd, hd_new, out_lo)
    out_hi = jnp.where(pd, hd_new, out_hi)
    pdo_ref[...] = jnp.concatenate([out_lo, out_hi], axis=1)


def _tc_gru(pair_src, pair_dst, psrc, pdst, same, xshared,
            w1o, w2o, who, bio, bho, w1i, w2i, whi, bii, bhi):
    bb = 1024
    grid = (B_EVENTS // bb,)
    row_blk = lambda w: pl.BlockSpec((bb, w), lambda b: (b, 0))
    full = lambda a: pl.BlockSpec(a.shape, lambda b: (0,) * a.ndim)
    f32 = jnp.float32
    return pl.pallas_call(
        _gru_body,
        grid=grid,
        in_specs=[row_blk(2 * Fh), row_blk(2 * Fh),
                  row_blk(1), row_blk(1), row_blk(1),
                  row_blk(2 * Fv + Fe),
                  full(w1o), full(w2o), full(who), full(bio), full(bho),
                  full(w1i), full(w2i), full(whi), full(bii), full(bhi)],
        out_specs=[row_blk(Fh), row_blk(Fh),
                   row_blk(2 * Fh), row_blk(2 * Fh)],
        out_shape=[jax.ShapeDtypeStruct((B_EVENTS, Fh), f32),
                   jax.ShapeDtypeStruct((B_EVENTS, Fh), f32),
                   jax.ShapeDtypeStruct((B_EVENTS, 2 * Fh), f32),
                   jax.ShapeDtypeStruct((B_EVENTS, 2 * Fh), f32)],
    )(pair_src, pair_dst, psrc, pdst, same, xshared,
      w1o, w2o, who, bio, bho, w1i, w2i, whi, bii, bhi)


_SCAT_BB = 8


def _scatter_body(ps_ref, pd_ref, h_ref, pso_ref, pdo_ref, out_ref):
    out_ref[...] = h_ref[...]
    for i in range(_SCAT_BB):
        s = ps_ref[0, 0, i]
        t = pd_ref[0, 0, i]
        out_ref[i, pl.ds(s, 1), :] = pso_ref[pl.ds(i, 1), :]
        out_ref[i, pl.ds(t, 1), :] = pdo_ref[pl.ds(i, 1), :]


def _tc_scatter(hp, pair_src_out, pair_dst_out, psrc_pair, pdst_pair):
    nb = B_EVENTS // _SCAT_BB
    e3_src = psrc_pair.reshape(nb, 1, _SCAT_BB)
    e3_dst = pdst_pair.reshape(nb, 1, _SCAT_BB)
    smem_blk = pl.BlockSpec((1, 1, _SCAT_BB), lambda b: (b, 0, 0),
                            memory_space=pltpu.SMEM)
    return pl.pallas_call(
        _scatter_body,
        grid=(nb,),
        in_specs=[smem_blk, smem_blk,
                  pl.BlockSpec((_SCAT_BB, N_PAIRS, 2 * Fh),
                               lambda b: (b, 0, 0)),
                  pl.BlockSpec((_SCAT_BB, 2 * Fh), lambda b: (b, 0)),
                  pl.BlockSpec((_SCAT_BB, 2 * Fh), lambda b: (b, 0))],
        out_specs=pl.BlockSpec((_SCAT_BB, N_PAIRS, 2 * Fh),
                               lambda b: (b, 0, 0)),
        out_shape=jax.ShapeDtypeStruct((B_EVENTS, N_PAIRS, 2 * Fh),
                                       jnp.float32),
        compiler_params=pltpu.CompilerParams(
            dimension_semantics=("arbitrary",)),
    )(e3_src, e3_dst, hp, pair_src_out, pair_dst_out)


def kernel(E, Xe, Xv, H, Wih_out, Whh_out, bih_out, bhh_out,
           Wih_in, Whh_in, bih_in, bhh_in):
    esrc = E[:, 0]
    edst = E[:, 1]
    hrows = H.reshape(PAIR_ROWS, 2 * Fh)

    pair_src, pair_dst = _sc_gather(hrows, esrc, edst)

    xshared = jnp.concatenate([Xv[:, 0, :], Xv[:, 1, :], Xe], axis=1)
    psrc = (esrc & 1)[:, None]
    pdst = (edst & 1)[:, None]
    same = ((esrc >> 1) == (edst >> 1)).astype(jnp.int32)[:, None]
    w1o = Wih_out[:, :Fh].T
    w2o = Wih_out[:, Fh:].T
    w1i = Wih_in[:, :Fh].T
    w2i = Wih_in[:, Fh:].T
    hsrc_new, hdst_new, pair_src_out, pair_dst_out = _tc_gru(
        pair_src, pair_dst, psrc, pdst, same, xshared,
        w1o, w2o, Whh_out.T, bih_out[None, :], bhh_out[None, :],
        w1i, w2i, Whh_in.T, bih_in[None, :], bhh_in[None, :])

    hp = H.reshape(B_EVENTS, N_PAIRS, 2 * Fh)
    h_out = _tc_scatter(hp, pair_src_out, pair_dst_out,
                        esrc >> 1, edst >> 1)
    return (hsrc_new, hdst_new, h_out.reshape(B_EVENTS, N_SLOTS, Fh))

# --- scband reference (transcript-rebuilt; emitter-appended) ---
"""Pipeline reference for scband-simple-memory-updater-10333691314214 (READ-ONLY COPY).

The authoritative reference and input builder live on the scoring server;
editing this copy changes nothing except your own understanding.
"""

import jax, jax.numpy as jnp
import numpy as np

Fh = 64
Fv = 64
Fe = 16
Fi = Fh + 2 * Fv + Fe  # 208
B_EVENTS = 4096
N_SLOTS = 512


def gru_cell(x, h, Wih, Whh, bih, bhh):
    # Matches torch.nn.GRUCell: gates ordered (reset, update, new)
    gi = x @ Wih.T + bih
    gh = h @ Whh.T + bhh
    i_r, i_z, i_n = jnp.split(gi, 3, axis=1)
    h_r, h_z, h_n = jnp.split(gh, 3, axis=1)
    r = jax.nn.sigmoid(i_r + h_r)
    z = jax.nn.sigmoid(i_z + h_z)
    n = jnp.tanh(i_n + r * h_n)
    return (1.0 - z) * n + z * h


def setup_inputs(seed: int = 0) -> dict:
    key = jax.random.key(seed)
    ks = jax.random.split(key, 16)
    E = jax.random.randint(ks[0], (B_EVENTS, 2), 0, N_SLOTS, dtype=jnp.int64 if jax.config.jax_enable_x64 else jnp.int32).astype(jnp.int32)
    Xe = jax.random.normal(ks[1], (B_EVENTS, Fe), dtype=jnp.float32)
    Xv = jax.random.normal(ks[2], (B_EVENTS, 2, Fv), dtype=jnp.float32)
    H = jax.random.normal(ks[3], (B_EVENTS, N_SLOTS, Fh), dtype=jnp.float32)
    s = 0.05
    Wih_out = jax.random.normal(ks[4], (3 * Fh, Fi), dtype=jnp.float32) * s
    Whh_out = jax.random.normal(ks[5], (3 * Fh, Fh), dtype=jnp.float32) * s
    bih_out = jax.random.normal(ks[6], (3 * Fh,), dtype=jnp.float32) * s
    bhh_out = jax.random.normal(ks[7], (3 * Fh,), dtype=jnp.float32) * s
    Wih_in = jax.random.normal(ks[8], (3 * Fh, Fi), dtype=jnp.float32) * s
    Whh_in = jax.random.normal(ks[9], (3 * Fh, Fh), dtype=jnp.float32) * s
    bih_in = jax.random.normal(ks[10], (3 * Fh,), dtype=jnp.float32) * s
    bhh_in = jax.random.normal(ks[11], (3 * Fh,), dtype=jnp.float32) * s
    return {"E": E, "Xe": Xe, "Xv": Xv, "H": H,
            "Wih_out": Wih_out, "Whh_out": Whh_out, "bih_out": bih_out, "bhh_out": bhh_out,
            "Wih_in": Wih_in, "Whh_in": Whh_in, "bih_in": bih_in, "bhh_in": bhh_in}


def reference(E, Xe, Xv, H, Wih_out, Whh_out, bih_out, bhh_out, Wih_in, Whh_in, bih_in, bhh_in):
    B = jnp.arange(H.shape[0])
    src = E[:, 0]
    dst = E[:, 1]
    Hsrc = H[B, src]
    Hdst = H[B, dst]
    srcFeatures = Xv[:, 0, :]
    dstFeatures = Xv[:, 1, :]
    srcInputs = jnp.concatenate((Hdst, srcFeatures, dstFeatures, Xe), axis=1)
    dstInputs = jnp.concatenate((Hsrc, srcFeatures, dstFeatures, Xe), axis=1)
    Hsrc_new = gru_cell(srcInputs, Hsrc, Wih_out, Whh_out, bih_out, bhh_out)
    Hdst_new = gru_cell(dstInputs, Hdst, Wih_in, Whh_in, bih_in, bhh_in)
    # sequential scatter-overwrite: src write first, then dst write (dst wins on collision),
    # matching torch's tuple-assignment semantics
    H = H.at[B, src].set(Hsrc_new)
    H = H.at[B, dst].set(Hdst_new)
    return (Hsrc_new, Hdst_new, H)

if __name__ == "__main__":
    import jax
    _d = setup_inputs()
    print(jax.jit(kernel)(*tuple(_d.values())))

</pallas_src>

<mosaic_0001>
#map = affine_map<(d0, d1) -> (0, 0)>
#map1 = affine_map<(d0, d1) -> (0)>
module attributes {stable_mosaic.version = 14 : i64} {
  func.func @_sc_gather_body(%arg0: i32, %arg1: i32, %arg2: memref<1048576x128xf32, #tpu.memory_space<hbm>>, %arg3: memref<4096xi32, #tpu.memory_space<hbm>>, %arg4: memref<4096xi32, #tpu.memory_space<hbm>>, %arg5: memref<4096x128xf32, #tpu.memory_space<hbm>>, %arg6: memref<4096x128xf32, #tpu.memory_space<hbm>>, %arg7: memref<128xi32, #tpu.memory_space<vmem>>, %arg8: memref<128xi32, #tpu.memory_space<vmem>>, %arg9: memref<128xi32, #tpu.memory_space<vmem>>, %arg10: memref<128xi32, #tpu.memory_space<vmem>>, %arg11: memref<128x128xf32, #tpu.memory_space<vmem>>, %arg12: memref<128x128xf32, #tpu.memory_space<vmem>>, %arg13: memref<!tpu.dma_semaphore, #tpu.memory_space<semaphore_mem>>, %arg14: memref<!tpu.dma_semaphore, #tpu.memory_space<semaphore_mem>>) attributes {dimension_semantics = [#tpu.dimension_semantics<core_parallel>, #tpu.dimension_semantics<subcore_parallel>], iteration_bounds = array<i64: 2, 16>, scalar_prefetch = 0 : i64, scratch_operands = 8 : i64, tpu.core_type = #tpu.core_type<sc_vector_subcore>, window_params = [{transform_indices = #map}, {transform_indices = #map1}, {transform_indices = #map1}, {transform_indices = #map}, {transform_indices = #map}]} {
    %mul3A = arith.constant 2 : i32
    %mul3A_0 = arith.muli %arg1, %mul3A : i32
    %add3A = arith.addi %mul3A_0, %arg0 : i32
    %mul3A_1 = arith.constant 128 : i32
    %mul3A_2 = arith.muli %add3A, %mul3A_1 : i32
    "tpu.region"() ({
      %run_scoped3A = tpu.sem_alloc : memref<!tpu.dma_semaphore, #tpu.memory_space<semaphore_mem>>
      %dma_start3A_298 = tpu.memref_slice %arg3[%mul3A_2] : memref<4096xi32, #tpu.memory_space<hbm>> -> memref<128xi32, #tpu.memory_space<hbm>>
      %dma_start3A_299 = tpu.memref_slice %arg3[%mul3A_2] : memref<4096xi32, #tpu.memory_space<hbm>> -> memref<128xi32, #tpu.memory_space<hbm>>
      tpu.enqueue_dma source(%dma_start3A_299 : memref<128xi32, #tpu.memory_space<hbm>>) target(%arg7 : memref<128xi32, #tpu.memory_space<vmem>>) target_semaphore(%run_scoped3A : memref<!tpu.dma_semaphore, #tpu.memory_space<semaphore_mem>>)
      %dma_wait3A_300 = tpu.memref_slice %arg3[%mul3A_2] : memref<4096xi32, #tpu.memory_space<hbm>> -> memref<128xi32, #tpu.memory_space<hbm>>
      %dma_wait3A_301 = tpu.memref_slice %arg3[%mul3A_2] : memref<4096xi32, #tpu.memory_space<hbm>> -> memref<128xi32, #tpu.memory_space<hbm>>
      tpu.wait_dma2 semaphore(%run_scoped3A : memref<!tpu.dma_semaphore, #tpu.memory_space<semaphore_mem>>) src(%dma_wait3A_301 : memref<128xi32, #tpu.memory_space<hbm>>) dst(%arg7 : memref<128xi32, #tpu.memory_space<vmem>>)
      tpu.yield
    }) : () -> ()
    "tpu.region"() ({
      %run_scoped3A = tpu.sem_alloc : memref<!tpu.dma_semaphore, #tpu.memory_space<semaphore_mem>>
      %dma_start3A_298 = tpu.memref_slice %arg4[%mul3A_2] : memref<4096xi32, #tpu.memory_space<hbm>> -> memref<128xi32, #tpu.memory_space<hbm>>
      %dma_start3A_299 = tpu.memref_slice %arg4[%mul3A_2] : memref<4096xi32, #tpu.memory_space<hbm>> -> memref<128xi32, #tpu.memory_space<hbm>>
      tpu.enqueue_dma source(%dma_start3A_299 : memref<128xi32, #tpu.memory_space<hbm>>) target(%arg8 : memref<128xi32, #tpu.memory_space<vmem>>) target_semaphore(%run_scoped3A : memref<!tpu.dma_semaphore, #tpu.memory_space<semaphore_mem>>)
      %dma_wait3A_300 = tpu.memref_slice %arg4[%mul3A_2] : memref<4096xi32, #tpu.memory_space<hbm>> -> memref<128xi32, #tpu.memory_space<hbm>>
      %dma_wait3A_301 = tpu.memref_slice %arg4[%mul3A_2] : memref<4096xi32, #tpu.memory_space<hbm>> -> memref<128xi32, #tpu.memory_space<hbm>>
      tpu.wait_dma2 semaphore(%run_scoped3A : memref<!tpu.dma_semaphore, #tpu.memory_space<semaphore_mem>>) src(%dma_wait3A_301 : memref<128xi32, #tpu.memory_space<hbm>>) dst(%arg8 : memref<128xi32, #tpu.memory_space<vmem>>)
      tpu.yield
    }) : () -> ()
    %iota3A = tpu.iota {dimensions = array<i32: 0>} : vector<16xi32>
    %add3A_3 = arith.constant 0 : i32
    %add3A_4 = arith.addi %mul3A_2, %add3A_3 : i32
    %mul3A_5 = arith.constant 512 : i32
    %mul3A_6 = arith.muli %add3A_4, %mul3A_5 : i32
    %get3A = arith.constant 0 : index
    %get3A_7 = tpu.vector_load %arg7[%get3A] {strides = array<i32>} : memref<128xi32, #tpu.memory_space<vmem>>, vector<16xi32>,
    %get3A_8 = vector.shape_cast %get3A_7 : vector<16xi32> to vector<16xi32>
    %mul3A_9 = arith.constant 512 : i32
    %mul3A_10 = vector.broadcast %mul3A_9 : i32 to vector<16xi32>
    %mul3A_11 = arith.muli %iota3A, %mul3A_10 : vector<16xi32>
    %add3A_12 = arith.addi %get3A_8, %mul3A_11 : vector<16xi32>
    %add3A_13 = vector.broadcast %mul3A_6 : i32 to vector<16xi32>
    %add3A_14 = arith.addi %add3A_12, %add3A_13 : vector<16xi32>
    %shift_right_logical3A = arith.constant 1 : i32
    %shift_right_logical3A_15 = vector.broadcast %shift_right_logical3A : i32 to vector<16xi32>
    %shift_right_logical3A_16 = arith.shrui %add3A_14, %shift_right_logical3A_15 : vector<16xi32>
    %swap3A = arith.constant 0 : index
    %swap3A_17 = tpu.vector_load %arg9[%swap3A] {strides = array<i32>} : memref<128xi32, #tpu.memory_space<vmem>>, vector<16xi32>,
    %swap3A_18 = vector.shape_cast %swap3A_17 : vector<16xi32> to vector<16xi32>
    %swap3A_19 = vector.shape_cast %shift_right_logical3A_16 : vector<16xi32> to vector<16xi32>
    tpu.vector_store %arg9[%swap3A], %swap3A_19 {strides = array<i32>} : memref<128xi32, #tpu.memory_space<vmem>>, vector<16xi32>,
    %get3A_20 = arith.constant 0 : index
    %get3A_21 = tpu.vector_load %arg8[%get3A_20] {strides = array<i32>} : memref<128xi32, #tpu.memory_space<vmem>>, vector<16xi32>,
    %get3A_22 = vector.shape_cast %get3A_21 : vector<16xi32> to vector<16xi32>
    %mul3A_23 = arith.constant 512 : i32
    %mul3A_24 = vector.broadcast %mul3A_23 : i32 to vector<16xi32>
    %mul3A_25 = arith.muli %iota3A, %mul3A_24 : vector<16xi32>
    %add3A_26 = arith.addi %get3A_22, %mul3A_25 : vector<16xi32>
    %add3A_27 = vector.broadcast %mul3A_6 : i32 to vector<16xi32>
    %add3A_28 = arith.addi %add3A_26, %add3A_27 : vector<16xi32>
    %shift_right_logical3A_29 = arith.constant 1 : i32
    %shift_right_logical3A_30 = vector.broadcast %shift_right_logical3A_29 : i32 to vector<16xi32>
    %shift_right_logical3A_31 = arith.shrui %add3A_28, %shift_right_logical3A_30 : vector<16xi32>
    %swap3A_32 = arith.constant 0 : index
    %swap3A_33 = tpu.vector_load %arg10[%swap3A_32] {strides = array<i32>} : memref<128xi32, #tpu.memory_space<vmem>>, vector<16xi32>,
    %swap3A_34 = vector.shape_cast %swap3A_33 : vector<16xi32> to vector<16xi32>
    %swap3A_35 = vector.shape_cast %shift_right_logical3A_31 : vector<16xi32> to vector<16xi32>
    tpu.vector_store %arg10[%swap3A_32], %swap3A_35 {strides = array<i32>} : memref<128xi32, #tpu.memory_space<vmem>>, vector<16xi32>,
    %add3A_36 = arith.constant 16 : i32
    %add3A_37 = arith.addi %mul3A_2, %add3A_36 : i32
    %mul3A_38 = arith.constant 512 : i32
    %mul3A_39 = arith.muli %add3A_37, %mul3A_38 : i32
    %get3A_40 = arith.constant 16 : index
    %get3A_41 = tpu.vector_load %arg7[%get3A_40] {strides = array<i32>} : memref<128xi32, #tpu.memory_space<vmem>>, vector<16xi32>,
    %get3A_42 = vector.shape_cast %get3A_41 : vector<16xi32> to vector<16xi32>
    %mul3A_43 = arith.constant 512 : i32
    %mul3A_44 = vector.broadcast %mul3A_43 : i32 to vector<16xi32>
    %mul3A_45 = arith.muli %iota3A, %mul3A_44 : vector<16xi32>
    %add3A_46 = arith.addi %get3A_42, %mul3A_45 : vector<16xi32>
    %add3A_47 = vector.broadcast %mul3A_39 : i32 to vector<16xi32>
    %add3A_48 = arith.addi %add3A_46, %add3A_47 : vector<16xi32>
    %shift_right_logical3A_49 = arith.constant 1 : i32
    %shift_right_logical3A_50 = vector.broadcast %shift_right_logical3A_49 : i32 to vector<16xi32>
    %shift_right_logical3A_51 = arith.shrui %add3A_48, %shift_right_logical3A_50 : vector<16xi32>
    %swap3A_52 = arith.constant 16 : index
    %swap3A_53 = tpu.vector_load %arg9[%swap3A_52] {strides = array<i32>} : memref<128xi32, #tpu.memory_space<vmem>>, vector<16xi32>,
    %swap3A_54 = vector.shape_cast %swap3A_53 : vector<16xi32> to vector<16xi32>
    %swap3A_55 = vector.shape_cast %shift_right_logical3A_51 : vector<16xi32> to vector<16xi32>
    tpu.vector_store %arg9[%swap3A_52], %swap3A_55 {strides = array<i32>} : memref<128xi32, #tpu.memory_space<vmem>>, vector<16xi32>,
    %get3A_56 = arith.constant 16 : index
    %get3A_57 = tpu.vector_load %arg8[%get3A_56] {strides = array<i32>} : memref<128xi32, #tpu.memory_space<vmem>>, vector<16xi32>,
    %get3A_58 = vector.shape_cast %get3A_57 : vector<16xi32> to vector<16xi32>
    %mul3A_59 = arith.constant 512 : i32
    %mul3A_60 = vector.broadcast %mul3A_59 : i32 to vector<16xi32>
    %mul3A_61 = arith.muli %iota3A, %mul3A_60 : vector<16xi32>
    %add3A_62 = arith.addi %get3A_58, %mul3A_61 : vector<16xi32>
    %add3A_63 = vector.broadcast %mul3A_39 : i32 to vector<16xi32>
    %add3A_64 = arith.addi %add3A_62, %add3A_63 : vector<16xi32>
    %shift_right_logical3A_65 = arith.constant 1 : i32
    %shift_right_logical3A_66 = vector.broadcast %shift_right_logical3A_65 : i32 to vector<16xi32>
    %shift_right_logical3A_67 = arith.shrui %add3A_64, %shift_right_logical3A_66 : vector<16xi32>
    %swap3A_68 = arith.constant 16 : index
    %swap3A_69 = tpu.vector_load %arg10[%swap3A_68] {strides = array<i32>} : memref<128xi32, #tpu.memory_space<vmem>>, vector<16xi32>,
    %swap3A_70 = vector.shape_cast %swap3A_69 : vector<16xi32> to vector<16xi32>
    %swap3A_71 = vector.shape_cast %shift_right_logical3A_67 : vector<16xi32> to vector<16xi32>
    tpu.vector_store %arg10[%swap3A_68], %swap3A_71 {strides = array<i32>} : memref<128xi32, #tpu.memory_space<vmem>>, vector<16xi32>,
    %add3A_72 = arith.constant 32 : i32
    %add3A_73 = arith.addi %mul3A_2, %add3A_72 : i32
    %mul3A_74 = arith.constant 512 : i32
    %mul3A_75 = arith.muli %add3A_73, %mul3A_74 : i32
    %get3A_76 = arith.constant 32 : index
    %get3A_77 = tpu.vector_load %arg7[%get3A_76] {strides = array<i32>} : memref<128xi32, #tpu.memory_space<vmem>>, vector<16xi32>,
    %get3A_78 = vector.shape_cast %get3A_77 : vector<16xi32> to vector<16xi32>
    %mul3A_79 = arith.constant 512 : i32
    %mul3A_80 = vector.broadcast %mul3A_79 : i32 to vector<16xi32>
    %mul3A_81 = arith.muli %iota3A, %mul3A_80 : vector<16xi32>
    %add3A_82 = arith.addi %get3A_78, %mul3A_81 : vector<16xi32>
    %add3A_83 = vector.broadcast %mul3A_75 : i32 to vector<16xi32>
    %add3A_84 = arith.addi %add3A_82, %add3A_83 : vector<16xi32>
    %shift_right_logical3A_85 = arith.constant 1 : i32
    %shift_right_logical3A_86 = vector.broadcast %shift_right_logical3A_85 : i32 to vector<16xi32>
    %shift_right_logical3A_87 = arith.shrui %add3A_84, %shift_right_logical3A_86 : vector<16xi32>
    %swap3A_88 = arith.constant 32 : index
    %swap3A_89 = tpu.vector_load %arg9[%swap3A_88] {strides = array<i32>} : memref<128xi32, #tpu.memory_space<vmem>>, vector<16xi32>,
    %swap3A_90 = vector.shape_cast %swap3A_89 : vector<16xi32> to vector<16xi32>
    %swap3A_91 = vector.shape_cast %shift_right_logical3A_87 : vector<16xi32> to vector<16xi32>
    tpu.vector_store %arg9[%swap3A_88], %swap3A_91 {strides = array<i32>} : memref<128xi32, #tpu.memory_space<vmem>>, vector<16xi32>,
    %get3A_92 = arith.constant 32 : index
    %get3A_93 = tpu.vector_load %arg8[%get3A_92] {strides = array<i32>} : memref<128xi32, #tpu.memory_space<vmem>>, vector<16xi32>,
    %get3A_94 = vector.shape_cast %get3A_93 : vector<16xi32> to vector<16xi32>
    %mul3A_95 = arith.constant 512 : i32
    %mul3A_96 = vector.broadcast %mul3A_95 : i32 to vector<16xi32>
    %mul3A_97 = arith.muli %iota3A, %mul3A_96 : vector<16xi32>
    %add3A_98 = arith.addi %get3A_94, %mul3A_97 : vector<16xi32>
    %add3A_99 = vector.broadcast %mul3A_75 : i32 to vector<16xi32>
    %add3A_100 = arith.addi %add3A_98, %add3A_99 : vector<16xi32>
    %shift_right_logical3A_101 = arith.constant 1 : i32
    %shift_right_logical3A_102 = vector.broadcast %shift_right_logical3A_101 : i32 to vector<16xi32>
    %shift_right_logical3A_103 = arith.shrui %add3A_100, %shift_right_logical3A_102 : vector<16xi32>
    %swap3A_104 = arith.constant 32 : index
    %swap3A_105 = tpu.vector_load %arg10[%swap3A_104] {strides = array<i32>} : memref<128xi32, #tpu.memory_space<vmem>>, vector<16xi32>,
    %swap3A_106 = vector.shape_cast %swap3A_105 : vector<16xi32> to vector<16xi32>
    %swap3A_107 = vector.shape_cast %shift_right_logical3A_103 : vector<16xi32> to vector<16xi32>
    tpu.vector_store %arg10[%swap3A_104], %swap3A_107 {strides = array<i32>} : memref<128xi32, #tpu.memory_space<vmem>>, vector<16xi32>,
    %add3A_108 = arith.constant 48 : i32
    %add3A_109 = arith.addi %mul3A_2, %add3A_108 : i32
    %mul3A_110 = arith.constant 512 : i32
    %mul3A_111 = arith.muli %add3A_109, %mul3A_110 : i32
    %get3A_112 = arith.constant 48 : index
    %get3A_113 = tpu.vector_load %arg7[%get3A_112] {strides = array<i32>} : memref<128xi32, #tpu.memory_space<vmem>>, vector<16xi32>,
    %get3A_114 = vector.shape_cast %get3A_113 : vector<16xi32> to vector<16xi32>
    %mul3A_115 = arith.constant 512 : i32
    %mul3A_116 = vector.broadcast %mul3A_115 : i32 to vector<16xi32>
    %mul3A_117 = arith.muli %iota3A, %mul3A_116 : vector<16xi32>
    %add3A_118 = arith.addi %get3A_114, %mul3A_117 : vector<16xi32>
    %add3A_119 = vector.broadcast %mul3A_111 : i32 to vector<16xi32>
    %add3A_120 = arith.addi %add3A_118, %add3A_119 : vector<16xi32>
    %shift_right_logical3A_121 = arith.constant 1 : i32
    %shift_right_logical3A_122 = vector.broadcast %shift_right_logical3A_121 : i32 to vector<16xi32>
    %shift_right_logical3A_123 = arith.shrui %add3A_120, %shift_right_logical3A_122 : vector<16xi32>
    %swap3A_124 = arith.constant 48 : index
    %swap3A_125 = tpu.vector_load %arg9[%swap3A_124] {strides = array<i32>} : memref<128xi32, #tpu.memory_space<vmem>>, vector<16xi32>,
    %swap3A_126 = vector.shape_cast %swap3A_125 : vector<16xi32> to vector<16xi32>
    %swap3A_127 = vector.shape_cast %shift_right_logical3A_123 : vector<16xi32> to vector<16xi32>
    tpu.vector_store %arg9[%swap3A_124], %swap3A_127 {strides = array<i32>} : memref<128xi32, #tpu.memory_space<vmem>>, vector<16xi32>,
    %get3A_128 = arith.constant 48 : index
    %get3A_129 = tpu.vector_load %arg8[%get3A_128] {strides = array<i32>} : memref<128xi32, #tpu.memory_space<vmem>>, vector<16xi32>,
    %get3A_130 = vector.shape_cast %get3A_129 : vector<16xi32> to vector<16xi32>
    %mul3A_131 = arith.constant 512 : i32
    %mul3A_132 = vector.broadcast %mul3A_131 : i32 to vector<16xi32>
    %mul3A_133 = arith.muli %iota3A, %mul3A_132 : vector<16xi32>
    %add3A_134 = arith.addi %get3A_130, %mul3A_133 : vector<16xi32>
    %add3A_135 = vector.broadcast %mul3A_111 : i32 to vector<16xi32>
    %add3A_136 = arith.addi %add3A_134, %add3A_135 : vector<16xi32>
    %shift_right_logical3A_137 = arith.constant 1 : i32
    %shift_right_logical3A_138 = vector.broadcast %shift_right_logical3A_137 : i32 to vector<16xi32>
    %shift_right_logical3A_139 = arith.shrui %add3A_136, %shift_right_logical3A_138 : vector<16xi32>
    %swap3A_140 = arith.constant 48 : index
    %swap3A_141 = tpu.vector_load %arg10[%swap3A_140] {strides = array<i32>} : memref<128xi32, #tpu.memory_space<vmem>>, vector<16xi32>,
    %swap3A_142 = vector.shape_cast %swap3A_141 : vector<16xi32> to vector<16xi32>
    %swap3A_143 = vector.shape_cast %shift_right_logical3A_139 : vector<16xi32> to vector<16xi32>
    tpu.vector_store %arg10[%swap3A_140], %swap3A_143 {strides = array<i32>} : memref<128xi32, #tpu.memory_space<vmem>>, vector<16xi32>,
    %add3A_144 = arith.constant 64 : i32
    %add3A_145 = arith.addi %mul3A_2, %add3A_144 : i32
    %mul3A_146 = arith.constant 512 : i32
    %mul3A_147 = arith.muli %add3A_145, %mul3A_146 : i32
    %get3A_148 = arith.constant 64 : index
    %get3A_149 = tpu.vector_load %arg7[%get3A_148] {strides = array<i32>} : memref<128xi32, #tpu.memory_space<vmem>>, vector<16xi32>,
    %get3A_150 = vector.shape_cast %get3A_149 : vector<16xi32> to vector<16xi32>
    %mul3A_151 = arith.constant 512 : i32
    %mul3A_152 = vector.broadcast %mul3A_151 : i32 to vector<16xi32>
    %mul3A_153 = arith.muli %iota3A, %mul3A_152 : vector<16xi32>
    %add3A_154 = arith.addi %get3A_150, %mul3A_153 : vector<16xi32>
    %add3A_155 = vector.broadcast %mul3A_147 : i32 to vector<16xi32>
    %add3A_156 = arith.addi %add3A_154, %add3A_155 : vector<16xi32>
    %shift_right_logical3A_157 = arith.constant 1 : i32
    %shift_right_logical3A_158 = vector.broadcast %shift_right_logical3A_157 : i32 to vector<16xi32>
    %shift_right_logical3A_159 = arith.shrui %add3A_156, %shift_right_logical3A_158 : vector<16xi32>
    %swap3A_160 = arith.constant 64 : index
    %swap3A_161 = tpu.vector_load %arg9[%swap3A_160] {strides = array<i32>} : memref<128xi32, #tpu.memory_space<vmem>>, vector<16xi32>,
    %swap3A_162 = vector.shape_cast %swap3A_161 : vector<16xi32> to vector<16xi32>
    %swap3A_163 = vector.shape_cast %shift_right_logical3A_159 : vector<16xi32> to vector<16xi32>
    tpu.vector_store %arg9[%swap3A_160], %swap3A_163 {strides = array<i32>} : memref<128xi32, #tpu.memory_space<vmem>>, vector<16xi32>,
    %get3A_164 = arith.constant 64 : index
    %get3A_165 = tpu.vector_load %arg8[%get3A_164] {strides = array<i32>} : memref<128xi32, #tpu.memory_space<vmem>>, vector<16xi32>,
    %get3A_166 = vector.shape_cast %get3A_165 : vector<16xi32> to vector<16xi32>
    %mul3A_167 = arith.constant 512 : i32
    %mul3A_168 = vector.broadcast %mul3A_167 : i32 to vector<16xi32>
    %mul3A_169 = arith.muli %iota3A, %mul3A_168 : vector<16xi32>
    %add3A_170 = arith.addi %get3A_166, %mul3A_169 : vector<16xi32>
    %add3A_171 = vector.broadcast %mul3A_147 : i32 to vector<16xi32>
    %add3A_172 = arith.addi %add3A_170, %add3A_171 : vector<16xi32>
    %shift_right_logical3A_173 = arith.constant 1 : i32
    %shift_right_logical3A_174 = vector.broadcast %shift_right_logical3A_173 : i32 to vector<16xi32>
    %shift_right_logical3A_175 = arith.shrui %add3A_172, %shift_right_logical3A_174 : vector<16xi32>
    %swap3A_176 = arith.constant 64 : index
    %swap3A_177 = tpu.vector_load %arg10[%swap3A_176] {strides = array<i32>} : memref<128xi32, #tpu.memory_space<vmem>>, vector<16xi32>,
    %swap3A_178 = vector.shape_cast %swap3A_177 : vector<16xi32> to vector<16xi32>
    %swap3A_179 = vector.shape_cast %shift_right_logical3A_175 : vector<16xi32> to vector<16xi32>
    tpu.vector_store %arg10[%swap3A_176], %swap3A_179 {strides = array<i32>} : memref<128xi32, #tpu.memory_space<vmem>>, vector<16xi32>,
    %add3A_180 = arith.constant 80 : i32
    %add3A_181 = arith.addi %mul3A_2, %add3A_180 : i32
    %mul3A_182 = arith.constant 512 : i32
    %mul3A_183 = arith.muli %add3A_181, %mul3A_182 : i32
    %get3A_184 = arith.constant 80 : index
    %get3A_185 = tpu.vector_load %arg7[%get3A_184] {strides = array<i32>} : memref<128xi32, #tpu.memory_space<vmem>>, vector<16xi32>,
    %get3A_186 = vector.shape_cast %get3A_185 : vector<16xi32> to vector<16xi32>
    %mul3A_187 = arith.constant 512 : i32
    %mul3A_188 = vector.broadcast %mul3A_187 : i32 to vector<16xi32>
    %mul3A_189 = arith.muli %iota3A, %mul3A_188 : vector<16xi32>
    %add3A_190 = arith.addi %get3A_186, %mul3A_189 : vector<16xi32>
    %add3A_191 = vector.broadcast %mul3A_183 : i32 to vector<16xi32>
    %add3A_192 = arith.addi %add3A_190, %add3A_191 : vector<16xi32>
    %shift_right_logical3A_193 = arith.constant 1 : i32
    %shift_right_logical3A_194 = vector.broadcast %shift_right_logical3A_193 : i32 to vector<16xi32>
    %shift_right_logical3A_195 = arith.shrui %add3A_192, %shift_right_logical3A_194 : vector<16xi32>
    %swap3A_196 = arith.constant 80 : index
    %swap3A_197 = tpu.vector_load %arg9[%swap3A_196] {strides = array<i32>} : memref<128xi32, #tpu.memory_space<vmem>>, vector<16xi32>,
    %swap3A_198 = vector.shape_cast %swap3A_197 : vector<16xi32> to vector<16xi32>
    %swap3A_199 = vector.shape_cast %shift_right_logical3A_195 : vector<16xi32> to vector<16xi32>
    tpu.vector_store %arg9[%swap3A_196], %swap3A_199 {strides = array<i32>} : memref<128xi32, #tpu.memory_space<vmem>>, vector<16xi32>,
    %get3A_200 = arith.constant 80 : index
    %get3A_201 = tpu.vector_load %arg8[%get3A_200] {strides = array<i32>} : memref<128xi32, #tpu.memory_space<vmem>>, vector<16xi32>,
    %get3A_202 = vector.shape_cast %get3A_201 : vector<16xi32> to vector<16xi32>
    %mul3A_203 = arith.constant 512 : i32
    %mul3A_204 = vector.broadcast %mul3A_203 : i32 to vector<16xi32>
    %mul3A_205 = arith.muli %iota3A, %mul3A_204 : vector<16xi32>
    %add3A_206 = arith.addi %get3A_202, %mul3A_205 : vector<16xi32>
    %add3A_207 = vector.broadcast %mul3A_183 : i32 to vector<16xi32>
    %add3A_208 = arith.addi %add3A_206, %add3A_207 : vector<16xi32>
    %shift_right_logical3A_209 = arith.constant 1 : i32
    %shift_right_logical3A_210 = vector.broadcast %shift_right_logical3A_209 : i32 to vector<16xi32>
    %shift_right_logical3A_211 = arith.shrui %add3A_208, %shift_right_logical3A_210 : vector<16xi32>
    %swap3A_212 = arith.constant 80 : index
    %swap3A_213 = tpu.vector_load %arg10[%swap3A_212] {strides = array<i32>} : memref<128xi32, #tpu.memory_space<vmem>>, vector<16xi32>,
    %swap3A_214 = vector.shape_cast %swap3A_213 : vector<16xi32> to vector<16xi32>
    %swap3A_215 = vector.shape_cast %shift_right_logical3A_211 : vector<16xi32> to vector<16xi32>
    tpu.vector_store %arg10[%swap3A_212], %swap3A_215 {strides = array<i32>} : memref<128xi32, #tpu.memory_space<vmem>>, vector<16xi32>,
    %add3A_216 = arith.constant 96 : i32
    %add3A_217 = arith.addi %mul3A_2, %add3A_216 : i32
    %mul3A_218 = arith.constant 512 : i32
    %mul3A_219 = arith.muli %add3A_217, %mul3A_218 : i32
    %get3A_220 = arith.constant 96 : index
    %get3A_221 = tpu.vector_load %arg7[%get3A_220] {strides = array<i32>} : memref<128xi32, #tpu.memory_space<vmem>>, vector<16xi32>,
    %get3A_222 = vector.shape_cast %get3A_221 : vector<16xi32> to vector<16xi32>
    %mul3A_223 = arith.constant 512 : i32
    %mul3A_224 = vector.broadcast %mul3A_223 : i32 to vector<16xi32>
    %mul3A_225 = arith.muli %iota3A, %mul3A_224 : vector<16xi32>
    %add3A_226 = arith.addi %get3A_222, %mul3A_225 : vector<16xi32>
    %add3A_227 = vector.broadcast %mul3A_219 : i32 to vector<16xi32>
    %add3A_228 = arith.addi %add3A_226, %add3A_227 : vector<16xi32>
    %shift_right_logical3A_229 = arith.constant 1 : i32
    %shift_right_logical3A_230 = vector.broadcast %shift_right_logical3A_229 : i32 to vector<16xi32>
    %shift_right_logical3A_231 = arith.shrui %add3A_228, %shift_right_logical3A_230 : vector<16xi32>
    %swap3A_232 = arith.constant 96 : index
    %swap3A_233 = tpu.vector_load %arg9[%swap3A_232] {strides = array<i32>} : memref<128xi32, #tpu.memory_space<vmem>>, vector<16xi32>,
    %swap3A_234 = vector.shape_cast %swap3A_233 : vector<16xi32> to vector<16xi32>
    %swap3A_235 = vector.shape_cast %shift_right_logical3A_231 : vector<16xi32> to vector<16xi32>
    tpu.vector_store %arg9[%swap3A_232], %swap3A_235 {strides = array<i32>} : memref<128xi32, #tpu.memory_space<vmem>>, vector<16xi32>,
    %get3A_236 = arith.constant 96 : index
    %get3A_237 = tpu.vector_load %arg8[%get3A_236] {strides = array<i32>} : memref<128xi32, #tpu.memory_space<vmem>>, vector<16xi32>,
    %get3A_238 = vector.shape_cast %get3A_237 : vector<16xi32> to vector<16xi32>
    %mul3A_239 = arith.constant 512 : i32
    %mul3A_240 = vector.broadcast %mul3A_239 : i32 to vector<16xi32>
    %mul3A_241 = arith.muli %iota3A, %mul3A_240 : vector<16xi32>
    %add3A_242 = arith.addi %get3A_238, %mul3A_241 : vector<16xi32>
    %add3A_243 = vector.broadcast %mul3A_219 : i32 to vector<16xi32>
    %add3A_244 = arith.addi %add3A_242, %add3A_243 : vector<16xi32>
    %shift_right_logical3A_245 = arith.constant 1 : i32
    %shift_right_logical3A_246 = vector.broadcast %shift_right_logical3A_245 : i32 to vector<16xi32>
    %shift_right_logical3A_247 = arith.shrui %add3A_244, %shift_right_logical3A_246 : vector<16xi32>
    %swap3A_248 = arith.constant 96 : index
    %swap3A_249 = tpu.vector_load %arg10[%swap3A_248] {strides = array<i32>} : memref<128xi32, #tpu.memory_space<vmem>>, vector<16xi32>,
    %swap3A_250 = vector.shape_cast %swap3A_249 : vector<16xi32> to vector<16xi32>
    %swap3A_251 = vector.shape_cast %shift_right_logical3A_247 : vector<16xi32> to vector<16xi32>
    tpu.vector_store %arg10[%swap3A_248], %swap3A_251 {strides = array<i32>} : memref<128xi32, #tpu.memory_space<vmem>>, vector<16xi32>,
    %add3A_252 = arith.constant 112 : i32
    %add3A_253 = arith.addi %mul3A_2, %add3A_252 : i32
    %mul3A_254 = arith.constant 512 : i32
    %mul3A_255 = arith.muli %add3A_253, %mul3A_254 : i32
    %get3A_256 = arith.constant 112 : index
    %get3A_257 = tpu.vector_load %arg7[%get3A_256] {strides = array<i32>} : memref<128xi32, #tpu.memory_space<vmem>>, vector<16xi32>,
    %get3A_258 = vector.shape_cast %get3A_257 : vector<16xi32> to vector<16xi32>
    %mul3A_259 = arith.constant 512 : i32
    %mul3A_260 = vector.broadcast %mul3A_259 : i32 to vector<16xi32>
    %mul3A_261 = arith.muli %iota3A, %mul3A_260 : vector<16xi32>
    %add3A_262 = arith.addi %get3A_258, %mul3A_261 : vector<16xi32>
    %add3A_263 = vector.broadcast %mul3A_255 : i32 to vector<16xi32>
    %add3A_264 = arith.addi %add3A_262, %add3A_263 : vector<16xi32>
    %shift_right_logical3A_265 = arith.constant 1 : i32
    %shift_right_logical3A_266 = vector.broadcast %shift_right_logical3A_265 : i32 to vector<16xi32>
    %shift_right_logical3A_267 = arith.shrui %add3A_264, %shift_right_logical3A_266 : vector<16xi32>
    %swap3A_268 = arith.constant 112 : index
    %swap3A_269 = tpu.vector_load %arg9[%swap3A_268] {strides = array<i32>} : memref<128xi32, #tpu.memory_space<vmem>>, vector<16xi32>,
    %swap3A_270 = vector.shape_cast %swap3A_269 : vector<16xi32> to vector<16xi32>
    %swap3A_271 = vector.shape_cast %shift_right_logical3A_267 : vector<16xi32> to vector<16xi32>
    tpu.vector_store %arg9[%swap3A_268], %swap3A_271 {strides = array<i32>} : memref<128xi32, #tpu.memory_space<vmem>>, vector<16xi32>,
    %get3A_272 = arith.constant 112 : index
    %get3A_273 = tpu.vector_load %arg8[%get3A_272] {strides = array<i32>} : memref<128xi32, #tpu.memory_space<vmem>>, vector<16xi32>,
    %get3A_274 = vector.shape_cast %get3A_273 : vector<16xi32> to vector<16xi32>
    %mul3A_275 = arith.constant 512 : i32
    %mul3A_276 = vector.broadcast %mul3A_275 : i32 to vector<16xi32>
    %mul3A_277 = arith.muli %iota3A, %mul3A_276 : vector<16xi32>
    %add3A_278 = arith.addi %get3A_274, %mul3A_277 : vector<16xi32>
    %add3A_279 = vector.broadcast %mul3A_255 : i32 to vector<16xi32>
    %add3A_280 = arith.addi %add3A_278, %add3A_279 : vector<16xi32>
    %shift_right_logical3A_281 = arith.constant 1 : i32
    %shift_right_logical3A_282 = vector.broadcast %shift_right_logical3A_281 : i32 to vector<16xi32>
    %shift_right_logical3A_283 = arith.shrui %add3A_280, %shift_right_logical3A_282 : vector<16xi32>
    %swap3A_284 = arith.constant 112 : index
    %swap3A_285 = tpu.vector_load %arg10[%swap3A_284] {strides = array<i32>} : memref<128xi32, #tpu.memory_space<vmem>>, vector<16xi32>,
    %swap3A_286 = vector.shape_cast %swap3A_285 : vector<16xi32> to vector<16xi32>
    %swap3A_287 = vector.shape_cast %shift_right_logical3A_283 : vector<16xi32> to vector<16xi32>
    tpu.vector_store %arg10[%swap3A_284], %swap3A_287 {strides = array<i32>} : memref<128xi32, #tpu.memory_space<vmem>>, vector<16xi32>,
    %dma_start3A = arith.constant 0 : i32
    %dma_start3A_288 = arith.constant 0 : i32
    %dma_start3A_289 = tpu.memref_slice %arg2[%dma_start3A, %dma_start3A_288] : memref<1048576x128xf32, #tpu.memory_space<hbm>> -> memref<1048576x128xf32, #tpu.memory_space<hbm>>
    tpu.enqueue_indirect_dma source(%dma_start3A_289 : memref<1048576x128xf32, #tpu.memory_space<hbm>>) target(%arg11 : memref<128x128xf32, #tpu.memory_space<vmem>>) offsets(%arg9 : memref<128xi32, #tpu.memory_space<vmem>>) semaphore(%arg13 : memref<!tpu.dma_semaphore, #tpu.memory_space<semaphore_mem>>)
    %dma_start3A_290 = arith.constant 0 : i32
    %dma_start3A_291 = arith.constant 0 : i32
    %dma_start3A_292 = tpu.memref_slice %arg2[%dma_start3A_290, %dma_start3A_291] : memref<1048576x128xf32, #tpu.memory_space<hbm>> -> memref<1048576x128xf32, #tpu.memory_space<hbm>>
    tpu.enqueue_indirect_dma source(%dma_start3A_292 : memref<1048576x128xf32, #tpu.memory_space<hbm>>) target(%arg12 : memref<128x128xf32, #tpu.memory_space<vmem>>) offsets(%arg10 : memref<128xi32, #tpu.memory_space<vmem>>) semaphore(%arg14 : memref<!tpu.dma_semaphore, #tpu.memory_space<semaphore_mem>>)
    %dma_wait3A = arith.constant 0 : i32
    %dma_wait3A_293 = arith.constant 0 : i32
    %dma_wait3A_294 = tpu.memref_slice %arg2[%dma_wait3A, %dma_wait3A_293] : memref<1048576x128xf32, #tpu.memory_space<hbm>> -> memref<1048576x128xf32, #tpu.memory_space<hbm>>
    tpu.wait_indirect_dma semaphore(%arg13 : memref<!tpu.dma_semaphore, #tpu.memory_space<semaphore_mem>>) src(%dma_wait3A_294 : memref<1048576x128xf32, #tpu.memory_space<hbm>>) dst(%arg11 : memref<128x128xf32, #tpu.memory_space<vmem>>)
    %dma_wait3A_295 = arith.constant 0 : i32
    %dma_wait3A_296 = arith.constant 0 : i32
    %dma_wait3A_297 = tpu.memref_slice %arg2[%dma_wait3A_295, %dma_wait3A_296] : memref<1048576x128xf32, #tpu.memory_space<hbm>> -> memref<1048576x128xf32, #tpu.memory_space<hbm>>
    tpu.wait_indirect_dma semaphore(%arg14 : memref<!tpu.dma_semaphore, #tpu.memory_space<semaphore_mem>>) src(%dma_wait3A_297 : memref<1048576x128xf32, #tpu.memory_space<hbm>>) dst(%arg12 : memref<128x128xf32, #tpu.memory_space<vmem>>)
    "tpu.region"() ({
      %run_scoped3A = tpu.sem_alloc : memref<!tpu.dma_semaphore, #tpu.memory_space<semaphore_mem>>
      %dma_start3A_298 = arith.constant 0 : i32
      %dma_start3A_299 = tpu.memref_slice %arg5[%mul3A_2, %dma_start3A_298] : memref<4096x128xf32, #tpu.memory_space<hbm>> -> memref<128x128xf32, #tpu.memory_space<hbm>>
      %dma_start3A_300 = arith.constant 0 : i32
      %dma_start3A_301 = tpu.memref_slice %arg5[%mul3A_2, %dma_start3A_300] : memref<4096x128xf32, #tpu.memory_space<hbm>> -> memref<128x128xf32, #tpu.memory_space<hbm>>
      tpu.enqueue_dma source(%arg11 : memref<128x128xf32, #tpu.memory_space<vmem>>) target(%dma_start3A_301 : memref<128x128xf32, #tpu.memory_space<hbm>>) target_semaphore(%run_scoped3A : memref<!tpu.dma_semaphore, #tpu.memory_space<semaphore_mem>>)
      %dma_wait3A_302 = arith.constant 0 : i32
      %dma_wait3A_303 = tpu.memref_slice %arg5[%mul3A_2, %dma_wait3A_302] : memref<4096x128xf32, #tpu.memory_space<hbm>> -> memref<128x128xf32, #tpu.memory_space<hbm>>
      %dma_wait3A_304 = arith.constant 0 : i32
      %dma_wait3A_305 = tpu.memref_slice %arg5[%mul3A_2, %dma_wait3A_304] : memref<4096x128xf32, #tpu.memory_space<hbm>> -> memref<128x128xf32, #tpu.memory_space<hbm>>
      tpu.wait_dma2 semaphore(%run_scoped3A : memref<!tpu.dma_semaphore, #tpu.memory_space<semaphore_mem>>) src(%arg11 : memref<128x128xf32, #tpu.memory_space<vmem>>) dst(%dma_wait3A_305 : memref<128x128xf32, #tpu.memory_space<hbm>>)
      tpu.yield
    }) : () -> ()
    "tpu.region"() ({
      %run_scoped3A = tpu.sem_alloc : memref<!tpu.dma_semaphore, #tpu.memory_space<semaphore_mem>>
      %dma_start3A_298 = arith.constant 0 : i32
      %dma_start3A_299 = tpu.memref_slice %arg6[%mul3A_2, %dma_start3A_298] : memref<4096x128xf32, #tpu.memory_space<hbm>> -> memref<128x128xf32, #tpu.memory_space<hbm>>
      %dma_start3A_300 = arith.constant 0 : i32
      %dma_start3A_301 = tpu.memref_slice %arg6[%mul3A_2, %dma_start3A_300] : memref<4096x128xf32, #tpu.memory_space<hbm>> -> memref<128x128xf32, #tpu.memory_space<hbm>>
      tpu.enqueue_dma source(%arg12 : memref<128x128xf32, #tpu.memory_space<vmem>>) target(%dma_start3A_301 : memref<128x128xf32, #tpu.memory_space<hbm>>) target_semaphore(%run_scoped3A : memref<!tpu.dma_semaphore, #tpu.memory_space<semaphore_mem>>)
      %dma_wait3A_302 = arith.constant 0 : i32
      %dma_wait3A_303 = tpu.memref_slice %arg6[%mul3A_2, %dma_wait3A_302] : memref<4096x128xf32, #tpu.memory_space<hbm>> -> memref<128x128xf32, #tpu.memory_space<hbm>>
      %dma_wait3A_304 = arith.constant 0 : i32
      %dma_wait3A_305 = tpu.memref_slice %arg6[%mul3A_2, %dma_wait3A_304] : memref<4096x128xf32, #tpu.memory_space<hbm>> -> memref<128x128xf32, #tpu.memory_space<hbm>>
      tpu.wait_dma2 semaphore(%run_scoped3A : memref<!tpu.dma_semaphore, #tpu.memory_space<semaphore_mem>>) src(%arg12 : memref<128x128xf32, #tpu.memory_space<vmem>>) dst(%dma_wait3A_305 : memref<128x128xf32, #tpu.memory_space<hbm>>)
      tpu.yield
    }) : () -> ()
    return
  }
}

module attributes {stable_mosaic.version = 14 : i64} {
  func.func @_gru_body(%arg0: i32, %arg1: memref<1024x128xf32, #tpu.memory_space<vmem>>, %arg2: memref<1024x128xf32, #tpu.memory_space<vmem>>, %arg3: memref<1024x1xi32, #tpu.memory_space<vmem>>, %arg4: memref<1024x1xi32, #tpu.memory_space<vmem>>, %arg5: memref<1024x1xi32, #tpu.memory_space<vmem>>, %arg6: memref<1024x144xf32, #tpu.memory_space<vmem>>, %arg7: memref<64x192xf32, #tpu.memory_space<vmem>>, %arg8: memref<144x192xf32, #tpu.memory_space<vmem>>, %arg9: memref<64x192xf32, #tpu.memory_space<vmem>>, %arg10: memref<1x192xf32, #tpu.memory_space<vmem>>, %arg11: memref<1x192xf32, #tpu.memory_space<vmem>>, %arg12: memref<64x192xf32, #tpu.memory_space<vmem>>, %arg13: memref<144x192xf32, #tpu.memory_space<vmem>>, %arg14: memref<64x192xf32, #tpu.memory_space<vmem>>, %arg15: memref<1x192xf32, #tpu.memory_space<vmem>>, %arg16: memref<1x192xf32, #tpu.memory_space<vmem>>, %arg17: memref<1024x64xf32, #tpu.memory_space<vmem>>, %arg18: memref<1024x64xf32, #tpu.memory_space<vmem>>, %arg19: memref<1024x128xf32, #tpu.memory_space<vmem>>, %arg20: memref<1024x128xf32, #tpu.memory_space<vmem>>) attributes {dimension_semantics = [#tpu.dimension_semantics<arbitrary>], iteration_bounds = array<i64: 4>, scalar_prefetch = 0 : i64, scratch_operands = 0 : i64, tpu.core_type = #tpu.core_type<tc>, window_params = [{transform_indices = @transform_0, window_bounds = array<i64: 1024, 128>}, {transform_indices = @transform_1, window_bounds = array<i64: 1024, 128>}, {transform_indices = @transform_2, window_bounds = array<i64: 1024, 1>}, {transform_indices = @transform_3, window_bounds = array<i64: 1024, 1>}, {transform_indices = @transform_4, window_bounds = array<i64: 1024, 1>}, {transform_indices = @transform_5, window_bounds = array<i64: 1024, 144>}, {pipeline_mode = #tpu.pipeline_mode<synchronous>, transform_indices = @transform_6, window_bounds = array<i64: 64, 192>}, {pipeline_mode = #tpu.pipeline_mode<synchronous>, transform_indices = @transform_7, window_bounds = array<i64: 144, 192>}, {pipeline_mode = #tpu.pipeline_mode<synchronous>, transform_indices = @transform_8, window_bounds = array<i64: 64, 192>}, {pipeline_mode = #tpu.pipeline_mode<synchronous>, transform_indices = @transform_9, window_bounds = array<i64: 1, 192>}, {pipeline_mode = #tpu.pipeline_mode<synchronous>, transform_indices = @transform_10, window_bounds = array<i64: 1, 192>}, {pipeline_mode = #tpu.pipeline_mode<synchronous>, transform_indices = @transform_11, window_bounds = array<i64: 64, 192>}, {pipeline_mode = #tpu.pipeline_mode<synchronous>, transform_indices = @transform_12, window_bounds = array<i64: 144, 192>}, {pipeline_mode = #tpu.pipeline_mode<synchronous>, transform_indices = @transform_13, window_bounds = array<i64: 64, 192>}, {pipeline_mode = #tpu.pipeline_mode<synchronous>, transform_indices = @transform_14, window_bounds = array<i64: 1, 192>}, {pipeline_mode = #tpu.pipeline_mode<synchronous>, transform_indices = @transform_15, window_bounds = array<i64: 1, 192>}, {transform_indices = @transform_16, window_bounds = array<i64: 1024, 64>}, {transform_indices = @transform_17, window_bounds = array<i64: 1024, 64>}, {transform_indices = @transform_18, window_bounds = array<i64: 1024, 128>}, {transform_indices = @transform_19, window_bounds = array<i64: 1024, 128>}]} {
    %get3A = arith.constant 0 : index
    %get3A_0 = arith.constant 0 : index
    %get3A_1 = vector.load %arg3[%get3A, %get3A_0] : memref<1024x1xi32, #tpu.memory_space<vmem>>, vector<1024x1xi32>
    %eq3A = arith.constant 1 : i32
    %eq3A_2 = vector.broadcast %eq3A : i32 to vector<1024x1xi32>
    %eq3A_3 = arith.cmpi eq, %get3A_1, %eq3A_2 : vector<1024x1xi32>
    %get3A_4 = arith.constant 0 : index
    %get3A_5 = arith.constant 0 : index
    %get3A_6 = vector.load %arg4[%get3A_4, %get3A_5] : memref<1024x1xi32, #tpu.memory_space<vmem>>, vector<1024x1xi32>
    %eq3A_7 = arith.constant 1 : i32
    %eq3A_8 = vector.broadcast %eq3A_7 : i32 to vector<1024x1xi32>
    %eq3A_9 = arith.cmpi eq, %get3A_6, %eq3A_8 : vector<1024x1xi32>
    %get3A_10 = arith.constant 0 : index
    %get3A_11 = arith.constant 0 : index
    %get3A_12 = vector.load %arg5[%get3A_10, %get3A_11] : memref<1024x1xi32, #tpu.memory_space<vmem>>, vector<1024x1xi32>
    %eq3A_13 = arith.constant 1 : i32
    %eq3A_14 = vector.broadcast %eq3A_13 : i32 to vector<1024x1xi32>
    %eq3A_15 = arith.cmpi eq, %get3A_12, %eq3A_14 : vector<1024x1xi32>
    %get3A_16 = arith.constant 0 : index
    %get3A_17 = arith.constant 0 : index
    %get3A_18 = vector.load %arg1[%get3A_16, %get3A_17] : memref<1024x128xf32, #tpu.memory_space<vmem>>, vector<1024x64xf32>
    %get3A_19 = arith.constant 0 : index
    %get3A_20 = arith.constant 64 : index
    %get3A_21 = vector.load %arg1[%get3A_19, %get3A_20] : memref<1024x128xf32, #tpu.memory_space<vmem>>, vector<1024x64xf32>
    %get3A_22 = arith.constant 0 : index
    %get3A_23 = arith.constant 0 : index
    %get3A_24 = vector.load %arg2[%get3A_22, %get3A_23] : memref<1024x128xf32, #tpu.memory_space<vmem>>, vector<1024x64xf32>
    %get3A_25 = arith.constant 0 : index
    %get3A_26 = arith.constant 64 : index
    %get3A_27 = vector.load %arg2[%get3A_25, %get3A_26] : memref<1024x128xf32, #tpu.memory_space<vmem>>, vector<1024x64xf32>
    %broadcast_in_dim3A = vector.shape_cast %eq3A_3 : vector<1024x1xi1> to vector<1024x1xi1>
    %broadcast_in_dim3A_28 = vector.broadcast %broadcast_in_dim3A : vector<1024x1xi1> to vector<1024x64xi1>
    %select_n3A = arith.select %broadcast_in_dim3A_28, %get3A_21, %get3A_18 : vector<1024x64xi1>, vector<1024x64xf32>
    %broadcast_in_dim3A_29 = vector.shape_cast %eq3A_9 : vector<1024x1xi1> to vector<1024x1xi1>
    %broadcast_in_dim3A_30 = vector.broadcast %broadcast_in_dim3A_29 : vector<1024x1xi1> to vector<1024x64xi1>
    %select_n3A_31 = arith.select %broadcast_in_dim3A_30, %get3A_27, %get3A_24 : vector<1024x64xi1>, vector<1024x64xf32>
    %get3A_32 = arith.constant 0 : index
    %get3A_33 = arith.constant 0 : index
    %get3A_34 = vector.load %arg6[%get3A_32, %get3A_33] : memref<1024x144xf32, #tpu.memory_space<vmem>>, vector<1024x144xf32>
    %get3A_35 = arith.constant 0 : index
    %get3A_36 = arith.constant 0 : index
    %get3A_37 = vector.load %arg7[%get3A_35, %get3A_36] : memref<64x192xf32, #tpu.memory_space<vmem>>, vector<64x192xf32>
    %dot_general3A = arith.constant dense<0.000000e+00> : vector<1024x192xf32>
    %dot_general3A_38 = tpu.matmul %select_n3A_31, %get3A_37, %dot_general3A {dimension_numbers = #tpu.dot_dimension_numbers<[1], [0], [0], [1], [0, 0, 1, 1], [], []>, transpose_lhs_hint = false} : vector<1024x64xf32>, vector<64x192xf32>, vector<1024x192xf32> -> vector<1024x192xf32>
    %get3A_39 = arith.constant 0 : index
    %get3A_40 = arith.constant 0 : index
    %get3A_41 = vector.load %arg8[%get3A_39, %get3A_40] : memref<144x192xf32, #tpu.memory_space<vmem>>, vector<144x192xf32>
    %dot_general3A_42 = arith.constant dense<0.000000e+00> : vector<1024x192xf32>
    %dot_general3A_43 = tpu.matmul %get3A_34, %get3A_41, %dot_general3A_42 {dimension_numbers = #tpu.dot_dimension_numbers<[1], [0], [0], [1], [0, 0, 1, 1], [], []>, transpose_lhs_hint = false} : vector<1024x144xf32>, vector<144x192xf32>, vector<1024x192xf32> -> vector<1024x192xf32>
    %add3A = arith.addf %dot_general3A_38, %dot_general3A_43 : vector<1024x192xf32>
    %get3A_44 = arith.constant 0 : index
    %get3A_45 = arith.constant 0 : index
    %get3A_46 = vector.load %arg10[%get3A_44, %get3A_45] : memref<1x192xf32, #tpu.memory_space<vmem>>, vector<1x192xf32>
    %add3A_47 = vector.broadcast %get3A_46 : vector<1x192xf32> to vector<1024x192xf32>
    %add3A_48 = arith.addf %add3A, %add3A_47 : vector<1024x192xf32>
    %get3A_49 = arith.constant 0 : index
    %get3A_50 = arith.constant 0 : index
    %get3A_51 = vector.load %arg9[%get3A_49, %get3A_50] : memref<64x192xf32, #tpu.memory_space<vmem>>, vector<64x192xf32>
    %dot_general3A_52 = arith.constant dense<0.000000e+00> : vector<1024x192xf32>
    %dot_general3A_53 = tpu.matmul %select_n3A, %get3A_51, %dot_general3A_52 {dimension_numbers = #tpu.dot_dimension_numbers<[1], [0], [0], [1], [0, 0, 1, 1], [], []>, transpose_lhs_hint = false} : vector<1024x64xf32>, vector<64x192xf32>, vector<1024x192xf32> -> vector<1024x192xf32>
    %get3A_54 = arith.constant 0 : index
    %get3A_55 = arith.constant 0 : index
    %get3A_56 = vector.load %arg11[%get3A_54, %get3A_55] : memref<1x192xf32, #tpu.memory_space<vmem>>, vector<1x192xf32>
    %add3A_57 = vector.broadcast %get3A_56 : vector<1x192xf32> to vector<1024x192xf32>
    %add3A_58 = arith.addf %dot_general3A_53, %add3A_57 : vector<1024x192xf32>
    %slice3A = vector.extract_strided_slice %add3A_48 {offsets = [0, 0], sizes = [1024, 64], strides = [1, 1]} : vector<1024x192xf32> to vector<1024x64xf32>
    %slice3A_59 = vector.extract_strided_slice %add3A_48 {offsets = [0, 64], sizes = [1024, 64], strides = [1, 1]} : vector<1024x192xf32> to vector<1024x64xf32>
    %slice3A_60 = vector.extract_strided_slice %add3A_48 {offsets = [0, 128], sizes = [1024, 64], strides = [1, 1]} : vector<1024x192xf32> to vector<1024x64xf32>
    %slice3A_61 = vector.extract_strided_slice %add3A_58 {offsets = [0, 0], sizes = [1024, 64], strides = [1, 1]} : vector<1024x192xf32> to vector<1024x64xf32>
    %slice3A_62 = vector.extract_strided_slice %add3A_58 {offsets = [0, 64], sizes = [1024, 64], strides = [1, 1]} : vector<1024x192xf32> to vector<1024x64xf32>
    %slice3A_63 = vector.extract_strided_slice %add3A_58 {offsets = [0, 128], sizes = [1024, 64], strides = [1, 1]} : vector<1024x192xf32> to vector<1024x64xf32>
    %add3A_64 = arith.addf %slice3A, %slice3A_61 : vector<1024x64xf32>
    %logistic3A = arith.negf %add3A_64 : vector<1024x64xf32>
    %logistic3A_65 = math.exp %logistic3A : vector<1024x64xf32>
    %logistic3A_66 = arith.constant 1.000000e+00 : f32
    %logistic3A_67 = vector.broadcast %logistic3A_66 : f32 to vector<1024x64xf32>
    %logistic3A_68 = arith.addf %logistic3A_67, %logistic3A_65 : vector<1024x64xf32>
    %logistic3A_69 = arith.divf %logistic3A_67, %logistic3A_68 : vector<1024x64xf32>
    %add3A_70 = arith.addf %slice3A_59, %slice3A_62 : vector<1024x64xf32>
    %logistic3A_71 = arith.negf %add3A_70 : vector<1024x64xf32>
    %logistic3A_72 = math.exp %logistic3A_71 : vector<1024x64xf32>
    %logistic3A_73 = arith.constant 1.000000e+00 : f32
    %logistic3A_74 = vector.broadcast %logistic3A_73 : f32 to vector<1024x64xf32>
    %logistic3A_75 = arith.addf %logistic3A_74, %logistic3A_72 : vector<1024x64xf32>
    %logistic3A_76 = arith.divf %logistic3A_74, %logistic3A_75 : vector<1024x64xf32>
    %mul3A = arith.mulf %logistic3A_69, %slice3A_63 : vector<1024x64xf32>
    %add3A_77 = arith.addf %slice3A_60, %mul3A : vector<1024x64xf32>
    %tanh3A = math.tanh %add3A_77 : vector<1024x64xf32>
    %sub3A = arith.constant 1.000000e+00 : f32
    %sub3A_78 = vector.broadcast %sub3A : f32 to vector<1024x64xf32>
    %sub3A_79 = arith.subf %sub3A_78, %logistic3A_76 : vector<1024x64xf32>
    %mul3A_80 = arith.mulf %sub3A_79, %tanh3A : vector<1024x64xf32>
    %mul3A_81 = arith.mulf %logistic3A_76, %select_n3A : vector<1024x64xf32>
    %add3A_82 = arith.addf %mul3A_80, %mul3A_81 : vector<1024x64xf32>
    %swap3A = arith.constant 0 : index
    %swap3A_83 = arith.constant 0 : index
    %swap3A_84 = vector.load %arg17[%swap3A, %swap3A_83] : memref<1024x64xf32, #tpu.memory_space<vmem>>, vector<1024x64xf32>
    tpu.vector_store %arg17[%swap3A, %swap3A_83], %add3A_82 {strides = array<i32>} : memref<1024x64xf32, #tpu.memory_space<vmem>>, vector<1024x64xf32>,
    %get3A_85 = arith.constant 0 : index
    %get3A_86 = arith.constant 0 : index
    %get3A_87 = vector.load %arg12[%get3A_85, %get3A_86] : memref<64x192xf32, #tpu.memory_space<vmem>>, vector<64x192xf32>
    %dot_general3A_88 = arith.constant dense<0.000000e+00> : vector<1024x192xf32>
    %dot_general3A_89 = tpu.matmul %select_n3A, %get3A_87, %dot_general3A_88 {dimension_numbers = #tpu.dot_dimension_numbers<[1], [0], [0], [1], [0, 0, 1, 1], [], []>, transpose_lhs_hint = false} : vector<1024x64xf32>, vector<64x192xf32>, vector<1024x192xf32> -> vector<1024x192xf32>
    %get3A_90 = arith.constant 0 : index
    %get3A_91 = arith.constant 0 : index
    %get3A_92 = vector.load %arg13[%get3A_90, %get3A_91] : memref<144x192xf32, #tpu.memory_space<vmem>>, vector<144x192xf32>
    %dot_general3A_93 = arith.constant dense<0.000000e+00> : vector<1024x192xf32>
    %dot_general3A_94 = tpu.matmul %get3A_34, %get3A_92, %dot_general3A_93 {dimension_numbers = #tpu.dot_dimension_numbers<[1], [0], [0], [1], [0, 0, 1, 1], [], []>, transpose_lhs_hint = false} : vector<1024x144xf32>, vector<144x192xf32>, vector<1024x192xf32> -> vector<1024x192xf32>
    %add3A_95 = arith.addf %dot_general3A_89, %dot_general3A_94 : vector<1024x192xf32>
    %get3A_96 = arith.constant 0 : index
    %get3A_97 = arith.constant 0 : index
    %get3A_98 = vector.load %arg15[%get3A_96, %get3A_97] : memref<1x192xf32, #tpu.memory_space<vmem>>, vector<1x192xf32>
    %add3A_99 = vector.broadcast %get3A_98 : vector<1x192xf32> to vector<1024x192xf32>
    %add3A_100 = arith.addf %add3A_95, %add3A_99 : vector<1024x192xf32>
    %get3A_101 = arith.constant 0 : index
    %get3A_102 = arith.constant 0 : index
    %get3A_103 = vector.load %arg14[%get3A_101, %get3A_102] : memref<64x192xf32, #tpu.memory_space<vmem>>, vector<64x192xf32>
    %dot_general3A_104 = arith.constant dense<0.000000e+00> : vector<1024x192xf32>
    %dot_general3A_105 = tpu.matmul %select_n3A_31, %get3A_103, %dot_general3A_104 {dimension_numbers = #tpu.dot_dimension_numbers<[1], [0], [0], [1], [0, 0, 1, 1], [], []>, transpose_lhs_hint = false} : vector<1024x64xf32>, vector<64x192xf32>, vector<1024x192xf32> -> vector<1024x192xf32>
    %get3A_106 = arith.constant 0 : index
    %get3A_107 = arith.constant 0 : index
    %get3A_108 = vector.load %arg16[%get3A_106, %get3A_107] : memref<1x192xf32, #tpu.memory_space<vmem>>, vector<1x192xf32>
    %add3A_109 = vector.broadcast %get3A_108 : vector<1x192xf32> to vector<1024x192xf32>
    %add3A_110 = arith.addf %dot_general3A_105, %add3A_109 : vector<1024x192xf32>
    %slice3A_111 = vector.extract_strided_slice %add3A_100 {offsets = [0, 0], sizes = [1024, 64], strides = [1, 1]} : vector<1024x192xf32> to vector<1024x64xf32>
    %slice3A_112 = vector.extract_strided_slice %add3A_100 {offsets = [0, 64], sizes = [1024, 64], strides = [1, 1]} : vector<1024x192xf32> to vector<1024x64xf32>
    %slice3A_113 = vector.extract_strided_slice %add3A_100 {offsets = [0, 128], sizes = [1024, 64], strides = [1, 1]} : vector<1024x192xf32> to vector<1024x64xf32>
    %slice3A_114 = vector.extract_strided_slice %add3A_110 {offsets = [0, 0], sizes = [1024, 64], strides = [1, 1]} : vector<1024x192xf32> to vector<1024x64xf32>
    %slice3A_115 = vector.extract_strided_slice %add3A_110 {offsets = [0, 64], sizes = [1024, 64], strides = [1, 1]} : vector<1024x192xf32> to vector<1024x64xf32>
    %slice3A_116 = vector.extract_strided_slice %add3A_110 {offsets = [0, 128], sizes = [1024, 64], strides = [1, 1]} : vector<1024x192xf32> to vector<1024x64xf32>
    %add3A_117 = arith.addf %slice3A_111, %slice3A_114 : vector<1024x64xf32>
    %logistic3A_118 = arith.negf %add3A_117 : vector<1024x64xf32>
    %logistic3A_119 = math.exp %logistic3A_118 : vector<1024x64xf32>
    %logistic3A_120 = arith.constant 1.000000e+00 : f32
    %logistic3A_121 = vector.broadcast %logistic3A_120 : f32 to vector<1024x64xf32>
    %logistic3A_122 = arith.addf %logistic3A_121, %logistic3A_119 : vector<1024x64xf32>
    %logistic3A_123 = arith.divf %logistic3A_121, %logistic3A_122 : vector<1024x64xf32>
    %add3A_124 = arith.addf %slice3A_112, %slice3A_115 : vector<1024x64xf32>
    %logistic3A_125 = arith.negf %add3A_124 : vector<1024x64xf32>
    %logistic3A_126 = math.exp %logistic3A_125 : vector<1024x64xf32>
    %logistic3A_127 = arith.constant 1.000000e+00 : f32
    %logistic3A_128 = vector.broadcast %logistic3A_127 : f32 to vector<1024x64xf32>
    %logistic3A_129 = arith.addf %logistic3A_128, %logistic3A_126 : vector<1024x64xf32>
    %logistic3A_130 = arith.divf %logistic3A_128, %logistic3A_129 : vector<1024x64xf32>
    %mul3A_131 = arith.mulf %logistic3A_123, %slice3A_116 : vector<1024x64xf32>
    %add3A_132 = arith.addf %slice3A_113, %mul3A_131 : vector<1024x64xf32>
    %tanh3A_133 = math.tanh %add3A_132 : vector<1024x64xf32>
    %sub3A_134 = arith.constant 1.000000e+00 : f32
    %sub3A_135 = vector.broadcast %sub3A_134 : f32 to vector<1024x64xf32>
    %sub3A_136 = arith.subf %sub3A_135, %logistic3A_130 : vector<1024x64xf32>
    %mul3A_137 = arith.mulf %sub3A_136, %tanh3A_133 : vector<1024x64xf32>
    %mul3A_138 = arith.mulf %logistic3A_130, %select_n3A_31 : vector<1024x64xf32>
    %add3A_139 = arith.addf %mul3A_137, %mul3A_138 : vector<1024x64xf32>
    %swap3A_140 = arith.constant 0 : index
    %swap3A_141 = arith.constant 0 : index
    %swap3A_142 = vector.load %arg18[%swap3A_140, %swap3A_141] : memref<1024x64xf32, #tpu.memory_space<vmem>>, vector<1024x64xf32>
    tpu.vector_store %arg18[%swap3A_140, %swap3A_141], %add3A_139 {strides = array<i32>} : memref<1024x64xf32, #tpu.memory_space<vmem>>, vector<1024x64xf32>,
    %broadcast_in_dim3A_143 = vector.shape_cast %eq3A_3 : vector<1024x1xi1> to vector<1024x1xi1>
    %broadcast_in_dim3A_144 = vector.broadcast %broadcast_in_dim3A_143 : vector<1024x1xi1> to vector<1024x64xi1>
    %select_n3A_145 = arith.select %broadcast_in_dim3A_144, %get3A_18, %add3A_82 : vector<1024x64xi1>, vector<1024x64xf32>
    %broadcast_in_dim3A_146 = vector.shape_cast %eq3A_3 : vector<1024x1xi1> to vector<1024x1xi1>
    %broadcast_in_dim3A_147 = vector.broadcast %broadcast_in_dim3A_146 : vector<1024x1xi1> to vector<1024x64xi1>
    %select_n3A_148 = arith.select %broadcast_in_dim3A_147, %add3A_82, %get3A_21 : vector<1024x64xi1>, vector<1024x64xf32>
    %concatenate3A = tpu.concatenate %select_n3A_145, %select_n3A_148 in 1 : vector<1024x64xf32>, vector<1024x64xf32> -> vector<1024x128xf32>
    %swap3A_149 = arith.constant 0 : index
    %swap3A_150 = arith.constant 0 : index
    %swap3A_151 = vector.load %arg19[%swap3A_149, %swap3A_150] : memref<1024x128xf32, #tpu.memory_space<vmem>>, vector<1024x128xf32>
    tpu.vector_store %arg19[%swap3A_149, %swap3A_150], %concatenate3A {strides = array<i32>} : memref<1024x128xf32, #tpu.memory_space<vmem>>, vector<1024x128xf32>,
    %not3A = arith.constant dense<true> : vector<1024x1xi1>
    %not3A_152 = arith.xori %eq3A_3, %not3A : vector<1024x1xi1>
    %and3A = arith.andi %eq3A_15, %not3A_152 : vector<1024x1xi1>
    %and3A_153 = arith.andi %and3A, %eq3A_9 : vector<1024x1xi1>
    %broadcast_in_dim3A_154 = vector.shape_cast %and3A_153 : vector<1024x1xi1> to vector<1024x1xi1>
    %broadcast_in_dim3A_155 = vector.broadcast %broadcast_in_dim3A_154 : vector<1024x1xi1> to vector<1024x64xi1>
    %select_n3A_156 = arith.select %broadcast_in_dim3A_155, %add3A_82, %get3A_24 : vector<1024x64xi1>, vector<1024x64xf32>
    %and3A_157 = arith.andi %eq3A_15, %eq3A_3 : vector<1024x1xi1>
    %not3A_158 = arith.constant dense<true> : vector<1024x1xi1>
    %not3A_159 = arith.xori %eq3A_9, %not3A_158 : vector<1024x1xi1>
    %and3A_160 = arith.andi %and3A_157, %not3A_159 : vector<1024x1xi1>
    %broadcast_in_dim3A_161 = vector.shape_cast %and3A_160 : vector<1024x1xi1> to vector<1024x1xi1>
    %broadcast_in_dim3A_162 = vector.broadcast %broadcast_in_dim3A_161 : vector<1024x1xi1> to vector<1024x64xi1>
    %select_n3A_163 = arith.select %broadcast_in_dim3A_162, %add3A_82, %get3A_27 : vector<1024x64xi1>, vector<1024x64xf32>
    %not3A_164 = arith.constant dense<true> : vector<1024x1xi1>
    %not3A_165 = arith.xori %eq3A_9, %not3A_164 : vector<1024x1xi1>
    %broadcast_in_dim3A_166 = vector.shape_cast %not3A_165 : vector<1024x1xi1> to vector<1024x1xi1>
    %broadcast_in_dim3A_167 = vector.broadcast %broadcast_in_dim3A_166 : vector<1024x1xi1> to vector<1024x64xi1>
    %select_n3A_168 = arith.select %broadcast_in_dim3A_167, %add3A_139, %select_n3A_156 : vector<1024x64xi1>, vector<1024x64xf32>
    %broadcast_in_dim3A_169 = vector.shape_cast %eq3A_9 : vector<1024x1xi1> to vector<1024x1xi1>
    %broadcast_in_dim3A_170 = vector.broadcast %broadcast_in_dim3A_169 : vector<1024x1xi1> to vector<1024x64xi1>
    %select_n3A_171 = arith.select %broadcast_in_dim3A_170, %add3A_139, %select_n3A_163 : vector<1024x64xi1>, vector<1024x64xf32>
    %concatenate3A_172 = tpu.concatenate %select_n3A_168, %select_n3A_171 in 1 : vector<1024x64xf32>, vector<1024x64xf32> -> vector<1024x128xf32>
    %swap3A_173 = arith.constant 0 : index
    %swap3A_174 = arith.constant 0 : index
    %swap3A_175 = vector.load %arg20[%swap3A_173, %swap3A_174] : memref<1024x128xf32, #tpu.memory_space<vmem>>, vector<1024x128xf32>
    tpu.vector_store %arg20[%swap3A_173, %swap3A_174], %concatenate3A_172 {strides = array<i32>} : memref<1024x128xf32, #tpu.memory_space<vmem>>, vector<1024x128xf32>,
    return
  }
  func.func @transform_0(%arg0: i32) -> (i32, i32) {
    %c0_i32 = arith.constant 0 : i32
    %c0_i32_0 = arith.constant 0 : i32
    return %arg0, %c0_i32 : i32, i32
  }
  func.func @transform_1(%arg0: i32) -> (i32, i32) {
    %c0_i32 = arith.constant 0 : i32
    %c0_i32_0 = arith.constant 0 : i32
    return %arg0, %c0_i32 : i32, i32
  }
  func.func @transform_2(%arg0: i32) -> (i32, i32) {
    %c0_i32 = arith.constant 0 : i32
    %c0_i32_0 = arith.constant 0 : i32
    return %arg0, %c0_i32 : i32, i32
  }
  func.func @transform_3(%arg0: i32) -> (i32, i32) {
    %c0_i32 = arith.constant 0 : i32
    %c0_i32_0 = arith.constant 0 : i32
    return %arg0, %c0_i32 : i32, i32
  }
  func.func @transform_4(%arg0: i32) -> (i32, i32) {
    %c0_i32 = arith.constant 0 : i32
    %c0_i32_0 = arith.constant 0 : i32
    return %arg0, %c0_i32 : i32, i32
  }
  func.func @transform_5(%arg0: i32) -> (i32, i32) {
    %c0_i32 = arith.constant 0 : i32
    %c0_i32_0 = arith.constant 0 : i32
    return %arg0, %c0_i32 : i32, i32
  }
  func.func @transform_6(%arg0: i32) -> (i32, i32) {
    %c0_i32 = arith.constant 0 : i32
    %c0_i32_0 = arith.constant 0 : i32
    %c0_i32_1 = arith.constant 0 : i32
    return %c0_i32, %c0_i32_0 : i32, i32
  }
  func.func @transform_7(%arg0: i32) -> (i32, i32) {
    %c0_i32 = arith.constant 0 : i32
    %c0_i32_0 = arith.constant 0 : i32
    %c0_i32_1 = arith.constant 0 : i32
    return %c0_i32, %c0_i32_0 : i32, i32
  }
  func.func @transform_8(%arg0: i32) -> (i32, i32) {
    %c0_i32 = arith.constant 0 : i32
    %c0_i32_0 = arith.constant 0 : i32
    %c0_i32_1 = arith.constant 0 : i32
    return %c0_i32, %c0_i32_0 : i32, i32
  }
  func.func @transform_9(%arg0: i32) -> (i32, i32) {
    %c0_i32 = arith.constant 0 : i32
    %c0_i32_0 = arith.constant 0 : i32
    %c0_i32_1 = arith.constant 0 : i32
    return %c0_i32, %c0_i32_0 : i32, i32
  }
  func.func @transform_10(%arg0: i32) -> (i32, i32) {
    %c0_i32 = arith.constant 0 : i32
    %c0_i32_0 = arith.constant 0 : i32
    %c0_i32_1 = arith.constant 0 : i32
    return %c0_i32, %c0_i32_0 : i32, i32
  }
  func.func @transform_11(%arg0: i32) -> (i32, i32) {
    %c0_i32 = arith.constant 0 : i32
    %c0_i32_0 = arith.constant 0 : i32
    %c0_i32_1 = arith.constant 0 : i32
    return %c0_i32, %c0_i32_0 : i32, i32
  }
  func.func @transform_12(%arg0: i32) -> (i32, i32) {
    %c0_i32 = arith.constant 0 : i32
    %c0_i32_0 = arith.constant 0 : i32
    %c0_i32_1 = arith.constant 0 : i32
    return %c0_i32, %c0_i32_0 : i32, i32
  }
  func.func @transform_13(%arg0: i32) -> (i32, i32) {
    %c0_i32 = arith.constant 0 : i32
    %c0_i32_0 = arith.constant 0 : i32
    %c0_i32_1 = arith.constant 0 : i32
    return %c0_i32, %c0_i32_0 : i32, i32
  }
  func.func @transform_14(%arg0: i32) -> (i32, i32) {
    %c0_i32 = arith.constant 0 : i32
    %c0_i32_0 = arith.constant 0 : i32
    %c0_i32_1 = arith.constant 0 : i32
    return %c0_i32, %c0_i32_0 : i32, i32
  }
  func.func @transform_15(%arg0: i32) -> (i32, i32) {
    %c0_i32 = arith.constant 0 : i32
    %c0_i32_0 = arith.constant 0 : i32
    %c0_i32_1 = arith.constant 0 : i32
    return %c0_i32, %c0_i32_0 : i32, i32
  }
  func.func @transform_16(%arg0: i32) -> (i32, i32) {
    %c0_i32 = arith.constant 0 : i32
    %c0_i32_0 = arith.constant 0 : i32
    return %arg0, %c0_i32 : i32, i32
  }
  func.func @transform_17(%arg0: i32) -> (i32, i32) {
    %c0_i32 = arith.constant 0 : i32
    %c0_i32_0 = arith.constant 0 : i32
    return %arg0, %c0_i32 : i32, i32
  }
  func.func @transform_18(%arg0: i32) -> (i32, i32) {
    %c0_i32 = arith.constant 0 : i32
    %c0_i32_0 = arith.constant 0 : i32
    return %arg0, %c0_i32 : i32, i32
  }
  func.func @transform_19(%arg0: i32) -> (i32, i32) {
    %c0_i32 = arith.constant 0 : i32
    %c0_i32_0 = arith.constant 0 : i32
    return %arg0, %c0_i32 : i32, i32
  }
}

module attributes {stable_mosaic.version = 14 : i64} {
  func.func @_scatter_body(%arg0: i32, %arg1: memref<1x1x8xi32, #tpu.memory_space<smem>>, %arg2: memref<1x1x8xi32, #tpu.memory_space<smem>>, %arg3: memref<8x256x128xf32, #tpu.memory_space<vmem>>, %arg4: memref<8x128xf32, #tpu.memory_space<vmem>>, %arg5: memref<8x128xf32, #tpu.memory_space<vmem>>, %arg6: memref<8x256x128xf32, #tpu.memory_space<vmem>>) attributes {dimension_semantics = [#tpu.dimension_semantics<arbitrary>], iteration_bounds = array<i64: 512>, scalar_prefetch = 0 : i64, scratch_operands = 0 : i64, tpu.core_type = #tpu.core_type<tc>, window_params = [{transform_indices = @transform_0, window_bounds = array<i64: 1, 1, 8>}, {transform_indices = @transform_1, window_bounds = array<i64: 1, 1, 8>}, {transform_indices = @transform_2, window_bounds = array<i64: 8, 256, 128>}, {transform_indices = @transform_3, window_bounds = array<i64: 8, 128>}, {transform_indices = @transform_4, window_bounds = array<i64: 8, 128>}, {transform_indices = @transform_5, window_bounds = array<i64: 8, 256, 128>}]} {
    %get3A = arith.constant 0 : index
    %get3A_0 = arith.constant 0 : index
    %get3A_1 = arith.constant 0 : index
    %get3A_2 = vector.load %arg3[%get3A, %get3A_0, %get3A_1] : memref<8x256x128xf32, #tpu.memory_space<vmem>>, vector<8x256x128xf32>
    %swap3A = arith.constant 0 : index
    %swap3A_3 = arith.constant 0 : index
    %swap3A_4 = arith.constant 0 : index
    %swap3A_5 = vector.load %arg6[%swap3A, %swap3A_3, %swap3A_4] : memref<8x256x128xf32, #tpu.memory_space<vmem>>, vector<8x256x128xf32>
    tpu.vector_store %arg6[%swap3A, %swap3A_3, %swap3A_4], %get3A_2 {strides = array<i32>} : memref<8x256x128xf32, #tpu.memory_space<vmem>>, vector<8x256x128xf32>,
    %get3A_6 = arith.constant 0 : index
    %get3A_7 = arith.constant 0 : index
    %get3A_8 = arith.constant 0 : index
    %get3A_9 = memref.load %arg1[%get3A_6, %get3A_7, %get3A_8] : memref<1x1x8xi32, #tpu.memory_space<smem>>
    %get3A_10 = arith.constant 0 : index
    %get3A_11 = arith.constant 0 : index
    %get3A_12 = arith.constant 0 : index
    %get3A_13 = memref.load %arg2[%get3A_10, %get3A_11, %get3A_12] : memref<1x1x8xi32, #tpu.memory_space<smem>>
    %get3A_14 = arith.constant 0 : index
    %get3A_15 = arith.constant 0 : index
    %get3A_16 = vector.load %arg4[%get3A_14, %get3A_15] : memref<8x128xf32, #tpu.memory_space<vmem>>, vector<1x128xf32>
    %swap3A_17 = arith.constant 0 : index
    %swap3A_18 = arith.index_cast %get3A_9 : i32 to index
    %swap3A_19 = arith.constant 0 : index
    %swap3A_20 = vector.load %arg6[%swap3A_17, %swap3A_18, %swap3A_19] : memref<8x256x128xf32, #tpu.memory_space<vmem>>, vector<1x1x128xf32>
    %swap3A_21 = vector.shape_cast %swap3A_20 : vector<1x1x128xf32> to vector<1x128xf32>
    %swap3A_22 = vector.shape_cast %get3A_16 : vector<1x128xf32> to vector<1x1x128xf32>
    tpu.vector_store %arg6[%swap3A_17, %swap3A_18, %swap3A_19], %swap3A_22 {strides = array<i32>} : memref<8x256x128xf32, #tpu.memory_space<vmem>>, vector<1x1x128xf32>,
    %get3A_23 = arith.constant 0 : index
    %get3A_24 = arith.constant 0 : index
    %get3A_25 = vector.load %arg5[%get3A_23, %get3A_24] : memref<8x128xf32, #tpu.memory_space<vmem>>, vector<1x128xf32>
    %swap3A_26 = arith.constant 0 : index
    %swap3A_27 = arith.index_cast %get3A_13 : i32 to index
    %swap3A_28 = arith.constant 0 : index
    %swap3A_29 = vector.load %arg6[%swap3A_26, %swap3A_27, %swap3A_28] : memref<8x256x128xf32, #tpu.memory_space<vmem>>, vector<1x1x128xf32>
    %swap3A_30 = vector.shape_cast %swap3A_29 : vector<1x1x128xf32> to vector<1x128xf32>
    %swap3A_31 = vector.shape_cast %get3A_25 : vector<1x128xf32> to vector<1x1x128xf32>
    tpu.vector_store %arg6[%swap3A_26, %swap3A_27, %swap3A_28], %swap3A_31 {strides = array<i32>} : memref<8x256x128xf32, #tpu.memory_space<vmem>>, vector<1x1x128xf32>,
    %get3A_32 = arith.constant 0 : index
    %get3A_33 = arith.constant 0 : index
    %get3A_34 = arith.constant 1 : index
    %get3A_35 = memref.load %arg1[%get3A_32, %get3A_33, %get3A_34] : memref<1x1x8xi32, #tpu.memory_space<smem>>
    %get3A_36 = arith.constant 0 : index
    %get3A_37 = arith.constant 0 : index
    %get3A_38 = arith.constant 1 : index
    %get3A_39 = memref.load %arg2[%get3A_36, %get3A_37, %get3A_38] : memref<1x1x8xi32, #tpu.memory_space<smem>>
    %get3A_40 = arith.constant 1 : index
    %get3A_41 = arith.constant 0 : index
    %get3A_42 = vector.load %arg4[%get3A_40, %get3A_41] : memref<8x128xf32, #tpu.memory_space<vmem>>, vector<1x128xf32>
    %swap3A_43 = arith.constant 1 : index
    %swap3A_44 = arith.index_cast %get3A_35 : i32 to index
    %swap3A_45 = arith.constant 0 : index
    %swap3A_46 = vector.load %arg6[%swap3A_43, %swap3A_44, %swap3A_45] : memref<8x256x128xf32, #tpu.memory_space<vmem>>, vector<1x1x128xf32>
    %swap3A_47 = vector.shape_cast %swap3A_46 : vector<1x1x128xf32> to vector<1x128xf32>
    %swap3A_48 = vector.shape_cast %get3A_42 : vector<1x128xf32> to vector<1x1x128xf32>
    tpu.vector_store %arg6[%swap3A_43, %swap3A_44, %swap3A_45], %swap3A_48 {strides = array<i32>} : memref<8x256x128xf32, #tpu.memory_space<vmem>>, vector<1x1x128xf32>,
    %get3A_49 = arith.constant 1 : index
    %get3A_50 = arith.constant 0 : index
    %get3A_51 = vector.load %arg5[%get3A_49, %get3A_50] : memref<8x128xf32, #tpu.memory_space<vmem>>, vector<1x128xf32>
    %swap3A_52 = arith.constant 1 : index
    %swap3A_53 = arith.index_cast %get3A_39 : i32 to index
    %swap3A_54 = arith.constant 0 : index
    %swap3A_55 = vector.load %arg6[%swap3A_52, %swap3A_53, %swap3A_54] : memref<8x256x128xf32, #tpu.memory_space<vmem>>, vector<1x1x128xf32>
    %swap3A_56 = vector.shape_cast %swap3A_55 : vector<1x1x128xf32> to vector<1x128xf32>
    %swap3A_57 = vector.shape_cast %get3A_51 : vector<1x128xf32> to vector<1x1x128xf32>
    tpu.vector_store %arg6[%swap3A_52, %swap3A_53, %swap3A_54], %swap3A_57 {strides = array<i32>} : memref<8x256x128xf32, #tpu.memory_space<vmem>>, vector<1x1x128xf32>,
    %get3A_58 = arith.constant 0 : index
    %get3A_59 = arith.constant 0 : index
    %get3A_60 = arith.constant 2 : index
    %get3A_61 = memref.load %arg1[%get3A_58, %get3A_59, %get3A_60] : memref<1x1x8xi32, #tpu.memory_space<smem>>
    %get3A_62 = arith.constant 0 : index
    %get3A_63 = arith.constant 0 : index
    %get3A_64 = arith.constant 2 : index
    %get3A_65 = memref.load %arg2[%get3A_62, %get3A_63, %get3A_64] : memref<1x1x8xi32, #tpu.memory_space<smem>>
    %get3A_66 = arith.constant 2 : index
    %get3A_67 = arith.constant 0 : index
    %get3A_68 = vector.load %arg4[%get3A_66, %get3A_67] : memref<8x128xf32, #tpu.memory_space<vmem>>, vector<1x128xf32>
    %swap3A_69 = arith.constant 2 : index
    %swap3A_70 = arith.index_cast %get3A_61 : i32 to index
    %swap3A_71 = arith.constant 0 : index
    %swap3A_72 = vector.load %arg6[%swap3A_69, %swap3A_70, %swap3A_71] : memref<8x256x128xf32, #tpu.memory_space<vmem>>, vector<1x1x128xf32>
    %swap3A_73 = vector.shape_cast %swap3A_72 : vector<1x1x128xf32> to vector<1x128xf32>
    %swap3A_74 = vector.shape_cast %get3A_68 : vector<1x128xf32> to vector<1x1x128xf32>
    tpu.vector_store %arg6[%swap3A_69, %swap3A_70, %swap3A_71], %swap3A_74 {strides = array<i32>} : memref<8x256x128xf32, #tpu.memory_space<vmem>>, vector<1x1x128xf32>,
    %get3A_75 = arith.constant 2 : index
    %get3A_76 = arith.constant 0 : index
    %get3A_77 = vector.load %arg5[%get3A_75, %get3A_76] : memref<8x128xf32, #tpu.memory_space<vmem>>, vector<1x128xf32>
    %swap3A_78 = arith.constant 2 : index
    %swap3A_79 = arith.index_cast %get3A_65 : i32 to index
    %swap3A_80 = arith.constant 0 : index
    %swap3A_81 = vector.load %arg6[%swap3A_78, %swap3A_79, %swap3A_80] : memref<8x256x128xf32, #tpu.memory_space<vmem>>, vector<1x1x128xf32>
    %swap3A_82 = vector.shape_cast %swap3A_81 : vector<1x1x128xf32> to vector<1x128xf32>
    %swap3A_83 = vector.shape_cast %get3A_77 : vector<1x128xf32> to vector<1x1x128xf32>
    tpu.vector_store %arg6[%swap3A_78, %swap3A_79, %swap3A_80], %swap3A_83 {strides = array<i32>} : memref<8x256x128xf32, #tpu.memory_space<vmem>>, vector<1x1x128xf32>,
    %get3A_84 = arith.constant 0 : index
    %get3A_85 = arith.constant 0 : index
    %get3A_86 = arith.constant 3 : index
    %get3A_87 = memref.load %arg1[%get3A_84, %get3A_85, %get3A_86] : memref<1x1x8xi32, #tpu.memory_space<smem>>
    %get3A_88 = arith.constant 0 : index
    %get3A_89 = arith.constant 0 : index
    %get3A_90 = arith.constant 3 : index
    %get3A_91 = memref.load %arg2[%get3A_88, %get3A_89, %get3A_90] : memref<1x1x8xi32, #tpu.memory_space<smem>>
    %get3A_92 = arith.constant 3 : index
    %get3A_93 = arith.constant 0 : index
    %get3A_94 = vector.load %arg4[%get3A_92, %get3A_93] : memref<8x128xf32, #tpu.memory_space<vmem>>, vector<1x128xf32>
    %swap3A_95 = arith.constant 3 : index
    %swap3A_96 = arith.index_cast %get3A_87 : i32 to index
    %swap3A_97 = arith.constant 0 : index
    %swap3A_98 = vector.load %arg6[%swap3A_95, %swap3A_96, %swap3A_97] : memref<8x256x128xf32, #tpu.memory_space<vmem>>, vector<1x1x128xf32>
    %swap3A_99 = vector.shape_cast %swap3A_98 : vector<1x1x128xf32> to vector<1x128xf32>
    %swap3A_100 = vector.shape_cast %get3A_94 : vector<1x128xf32> to vector<1x1x128xf32>
    tpu.vector_store %arg6[%swap3A_95, %swap3A_96, %swap3A_97], %swap3A_100 {strides = array<i32>} : memref<8x256x128xf32, #tpu.memory_space<vmem>>, vector<1x1x128xf32>,
    %get3A_101 = arith.constant 3 : index
    %get3A_102 = arith.constant 0 : index
    %get3A_103 = vector.load %arg5[%get3A_101, %get3A_102] : memref<8x128xf32, #tpu.memory_space<vmem>>, vector<1x128xf32>
    %swap3A_104 = arith.constant 3 : index
    %swap3A_105 = arith.index_cast %get3A_91 : i32 to index
    %swap3A_106 = arith.constant 0 : index
    %swap3A_107 = vector.load %arg6[%swap3A_104, %swap3A_105, %swap3A_106] : memref<8x256x128xf32, #tpu.memory_space<vmem>>, vector<1x1x128xf32>
    %swap3A_108 = vector.shape_cast %swap3A_107 : vector<1x1x128xf32> to vector<1x128xf32>
    %swap3A_109 = vector.shape_cast %get3A_103 : vector<1x128xf32> to vector<1x1x128xf32>
    tpu.vector_store %arg6[%swap3A_104, %swap3A_105, %swap3A_106], %swap3A_109 {strides = array<i32>} : memref<8x256x128xf32, #tpu.memory_space<vmem>>, vector<1x1x128xf32>,
    %get3A_110 = arith.constant 0 : index
    %get3A_111 = arith.constant 0 : index
    %get3A_112 = arith.constant 4 : index
    %get3A_113 = memref.load %arg1[%get3A_110, %get3A_111, %get3A_112] : memref<1x1x8xi32, #tpu.memory_space<smem>>
    %get3A_114 = arith.constant 0 : index
    %get3A_115 = arith.constant 0 : index
    %get3A_116 = arith.constant 4 : index
    %get3A_117 = memref.load %arg2[%get3A_114, %get3A_115, %get3A_116] : memref<1x1x8xi32, #tpu.memory_space<smem>>
    %get3A_118 = arith.constant 4 : index
    %get3A_119 = arith.constant 0 : index
    %get3A_120 = vector.load %arg4[%get3A_118, %get3A_119] : memref<8x128xf32, #tpu.memory_space<vmem>>, vector<1x128xf32>
    %swap3A_121 = arith.constant 4 : index
    %swap3A_122 = arith.index_cast %get3A_113 : i32 to index
    %swap3A_123 = arith.constant 0 : index
    %swap3A_124 = vector.load %arg6[%swap3A_121, %swap3A_122, %swap3A_123] : memref<8x256x128xf32, #tpu.memory_space<vmem>>, vector<1x1x128xf32>
    %swap3A_125 = vector.shape_cast %swap3A_124 : vector<1x1x128xf32> to vector<1x128xf32>
    %swap3A_126 = vector.shape_cast %get3A_120 : vector<1x128xf32> to vector<1x1x128xf32>
    tpu.vector_store %arg6[%swap3A_121, %swap3A_122, %swap3A_123], %swap3A_126 {strides = array<i32>} : memref<8x256x128xf32, #tpu.memory_space<vmem>>, vector<1x1x128xf32>,
    %get3A_127 = arith.constant 4 : index
    %get3A_128 = arith.constant 0 : index
    %get3A_129 = vector.load %arg5[%get3A_127, %get3A_128] : memref<8x128xf32, #tpu.memory_space<vmem>>, vector<1x128xf32>
    %swap3A_130 = arith.constant 4 : index
    %swap3A_131 = arith.index_cast %get3A_117 : i32 to index
    %swap3A_132 = arith.constant 0 : index
    %swap3A_133 = vector.load %arg6[%swap3A_130, %swap3A_131, %swap3A_132] : memref<8x256x128xf32, #tpu.memory_space<vmem>>, vector<1x1x128xf32>
    %swap3A_134 = vector.shape_cast %swap3A_133 : vector<1x1x128xf32> to vector<1x128xf32>
    %swap3A_135 = vector.shape_cast %get3A_129 : vector<1x128xf32> to vector<1x1x128xf32>
    tpu.vector_store %arg6[%swap3A_130, %swap3A_131, %swap3A_132], %swap3A_135 {strides = array<i32>} : memref<8x256x128xf32, #tpu.memory_space<vmem>>, vector<1x1x128xf32>,
    %get3A_136 = arith.constant 0 : index
    %get3A_137 = arith.constant 0 : index
    %get3A_138 = arith.constant 5 : index
    %get3A_139 = memref.load %arg1[%get3A_136, %get3A_137, %get3A_138] : memref<1x1x8xi32, #tpu.memory_space<smem>>
    %get3A_140 = arith.constant 0 : index
    %get3A_141 = arith.constant 0 : index
    %get3A_142 = arith.constant 5 : index
    %get3A_143 = memref.load %arg2[%get3A_140, %get3A_141, %get3A_142] : memref<1x1x8xi32, #tpu.memory_space<smem>>
    %get3A_144 = arith.constant 5 : index
    %get3A_145 = arith.constant 0 : index
    %get3A_146 = vector.load %arg4[%get3A_144, %get3A_145] : memref<8x128xf32, #tpu.memory_space<vmem>>, vector<1x128xf32>
    %swap3A_147 = arith.constant 5 : index
    %swap3A_148 = arith.index_cast %get3A_139 : i32 to index
    %swap3A_149 = arith.constant 0 : index
    %swap3A_150 = vector.load %arg6[%swap3A_147, %swap3A_148, %swap3A_149] : memref<8x256x128xf32, #tpu.memory_space<vmem>>, vector<1x1x128xf32>
    %swap3A_151 = vector.shape_cast %swap3A_150 : vector<1x1x128xf32> to vector<1x128xf32>
    %swap3A_152 = vector.shape_cast %get3A_146 : vector<1x128xf32> to vector<1x1x128xf32>
    tpu.vector_store %arg6[%swap3A_147, %swap3A_148, %swap3A_149], %swap3A_152 {strides = array<i32>} : memref<8x256x128xf32, #tpu.memory_space<vmem>>, vector<1x1x128xf32>,
    %get3A_153 = arith.constant 5 : index
    %get3A_154 = arith.constant 0 : index
    %get3A_155 = vector.load %arg5[%get3A_153, %get3A_154] : memref<8x128xf32, #tpu.memory_space<vmem>>, vector<1x128xf32>
    %swap3A_156 = arith.constant 5 : index
    %swap3A_157 = arith.index_cast %get3A_143 : i32 to index
    %swap3A_158 = arith.constant 0 : index
    %swap3A_159 = vector.load %arg6[%swap3A_156, %swap3A_157, %swap3A_158] : memref<8x256x128xf32, #tpu.memory_space<vmem>>, vector<1x1x128xf32>
    %swap3A_160 = vector.shape_cast %swap3A_159 : vector<1x1x128xf32> to vector<1x128xf32>
    %swap3A_161 = vector.shape_cast %get3A_155 : vector<1x128xf32> to vector<1x1x128xf32>
    tpu.vector_store %arg6[%swap3A_156, %swap3A_157, %swap3A_158], %swap3A_161 {strides = array<i32>} : memref<8x256x128xf32, #tpu.memory_space<vmem>>, vector<1x1x128xf32>,
    %get3A_162 = arith.constant 0 : index
    %get3A_163 = arith.constant 0 : index
    %get3A_164 = arith.constant 6 : index
    %get3A_165 = memref.load %arg1[%get3A_162, %get3A_163, %get3A_164] : memref<1x1x8xi32, #tpu.memory_space<smem>>
    %get3A_166 = arith.constant 0 : index
    %get3A_167 = arith.constant 0 : index
    %get3A_168 = arith.constant 6 : index
    %get3A_169 = memref.load %arg2[%get3A_166, %get3A_167, %get3A_168] : memref<1x1x8xi32, #tpu.memory_space<smem>>
    %get3A_170 = arith.constant 6 : index
    %get3A_171 = arith.constant 0 : index
    %get3A_172 = vector.load %arg4[%get3A_170, %get3A_171] : memref<8x128xf32, #tpu.memory_space<vmem>>, vector<1x128xf32>
    %swap3A_173 = arith.constant 6 : index
    %swap3A_174 = arith.index_cast %get3A_165 : i32 to index
    %swap3A_175 = arith.constant 0 : index
    %swap3A_176 = vector.load %arg6[%swap3A_173, %swap3A_174, %swap3A_175] : memref<8x256x128xf32, #tpu.memory_space<vmem>>, vector<1x1x128xf32>
    %swap3A_177 = vector.shape_cast %swap3A_176 : vector<1x1x128xf32> to vector<1x128xf32>
    %swap3A_178 = vector.shape_cast %get3A_172 : vector<1x128xf32> to vector<1x1x128xf32>
    tpu.vector_store %arg6[%swap3A_173, %swap3A_174, %swap3A_175], %swap3A_178 {strides = array<i32>} : memref<8x256x128xf32, #tpu.memory_space<vmem>>, vector<1x1x128xf32>,
    %get3A_179 = arith.constant 6 : index
    %get3A_180 = arith.constant 0 : index
    %get3A_181 = vector.load %arg5[%get3A_179, %get3A_180] : memref<8x128xf32, #tpu.memory_space<vmem>>, vector<1x128xf32>
    %swap3A_182 = arith.constant 6 : index
    %swap3A_183 = arith.index_cast %get3A_169 : i32 to index
    %swap3A_184 = arith.constant 0 : index
    %swap3A_185 = vector.load %arg6[%swap3A_182, %swap3A_183, %swap3A_184] : memref<8x256x128xf32, #tpu.memory_space<vmem>>, vector<1x1x128xf32>
    %swap3A_186 = vector.shape_cast %swap3A_185 : vector<1x1x128xf32> to vector<1x128xf32>
    %swap3A_187 = vector.shape_cast %get3A_181 : vector<1x128xf32> to vector<1x1x128xf32>
    tpu.vector_store %arg6[%swap3A_182, %swap3A_183, %swap3A_184], %swap3A_187 {strides = array<i32>} : memref<8x256x128xf32, #tpu.memory_space<vmem>>, vector<1x1x128xf32>,
    %get3A_188 = arith.constant 0 : index
    %get3A_189 = arith.constant 0 : index
    %get3A_190 = arith.constant 7 : index
    %get3A_191 = memref.load %arg1[%get3A_188, %get3A_189, %get3A_190] : memref<1x1x8xi32, #tpu.memory_space<smem>>
    %get3A_192 = arith.constant 0 : index
    %get3A_193 = arith.constant 0 : index
    %get3A_194 = arith.constant 7 : index
    %get3A_195 = memref.load %arg2[%get3A_192, %get3A_193, %get3A_194] : memref<1x1x8xi32, #tpu.memory_space<smem>>
    %get3A_196 = arith.constant 7 : index
    %get3A_197 = arith.constant 0 : index
    %get3A_198 = vector.load %arg4[%get3A_196, %get3A_197] : memref<8x128xf32, #tpu.memory_space<vmem>>, vector<1x128xf32>
    %swap3A_199 = arith.constant 7 : index
    %swap3A_200 = arith.index_cast %get3A_191 : i32 to index
    %swap3A_201 = arith.constant 0 : index
    %swap3A_202 = vector.load %arg6[%swap3A_199, %swap3A_200, %swap3A_201] : memref<8x256x128xf32, #tpu.memory_space<vmem>>, vector<1x1x128xf32>
    %swap3A_203 = vector.shape_cast %swap3A_202 : vector<1x1x128xf32> to vector<1x128xf32>
    %swap3A_204 = vector.shape_cast %get3A_198 : vector<1x128xf32> to vector<1x1x128xf32>
    tpu.vector_store %arg6[%swap3A_199, %swap3A_200, %swap3A_201], %swap3A_204 {strides = array<i32>} : memref<8x256x128xf32, #tpu.memory_space<vmem>>, vector<1x1x128xf32>,
    %get3A_205 = arith.constant 7 : index
    %get3A_206 = arith.constant 0 : index
    %get3A_207 = vector.load %arg5[%get3A_205, %get3A_206] : memref<8x128xf32, #tpu.memory_space<vmem>>, vector<1x128xf32>
    %swap3A_208 = arith.constant 7 : index
    %swap3A_209 = arith.index_cast %get3A_195 : i32 to index
    %swap3A_210 = arith.constant 0 : index
    %swap3A_211 = vector.load %arg6[%swap3A_208, %swap3A_209, %swap3A_210] : memref<8x256x128xf32, #tpu.memory_space<vmem>>, vector<1x1x128xf32>
    %swap3A_212 = vector.shape_cast %swap3A_211 : vector<1x1x128xf32> to vector<1x128xf32>
    %swap3A_213 = vector.shape_cast %get3A_207 : vector<1x128xf32> to vector<1x1x128xf32>
    tpu.vector_store %arg6[%swap3A_208, %swap3A_209, %swap3A_210], %swap3A_213 {strides = array<i32>} : memref<8x256x128xf32, #tpu.memory_space<vmem>>, vector<1x1x128xf32>,
    return
  }
  func.func @transform_0(%arg0: i32) -> (i32, i32, i32) {
    %c0_i32 = arith.constant 0 : i32
    %c0_i32_0 = arith.constant 0 : i32
    %c0_i32_1 = arith.constant 0 : i32
    return %arg0, %c0_i32, %c0_i32_0 : i32, i32, i32
  }
  func.func @transform_1(%arg0: i32) -> (i32, i32, i32) {
    %c0_i32 = arith.constant 0 : i32
    %c0_i32_0 = arith.constant 0 : i32
    %c0_i32_1 = arith.constant 0 : i32
    return %arg0, %c0_i32, %c0_i32_0 : i32, i32, i32
  }
  func.func @transform_2(%arg0: i32) -> (i32, i32, i32) {
    %c0_i32 = arith.constant 0 : i32
    %c0_i32_0 = arith.constant 0 : i32
    %c0_i32_1 = arith.constant 0 : i32
    return %arg0, %c0_i32, %c0_i32_0 : i32, i32, i32
  }
  func.func @transform_3(%arg0: i32) -> (i32, i32) {
    %c0_i32 = arith.constant 0 : i32
    %c0_i32_0 = arith.constant 0 : i32
    return %arg0, %c0_i32 : i32, i32
  }
  func.func @transform_4(%arg0: i32) -> (i32, i32) {
    %c0_i32 = arith.constant 0 : i32
    %c0_i32_0 = arith.constant 0 : i32
    return %arg0, %c0_i32 : i32, i32
  }
  func.func @transform_5(%arg0: i32) -> (i32, i32, i32) {
    %c0_i32 = arith.constant 0 : i32
    %c0_i32_0 = arith.constant 0 : i32
    %c0_i32_1 = arith.constant 0 : i32
    return %arg0, %c0_i32, %c0_i32_0 : i32, i32, i32
  }
}

</mosaic_0001>

<sc_bundles>
// kernel: kernel.5.cloned.1.call-start
scs
__scs_entry_jumppad:
0x0: {  	(pc) =	sbr.rel $0x88, $3  }
0x1: {  	(tag) =	ssettag $0x0;
	lr =	simm.s32 $0x1  }
0x2: {  	[smem:$0x3F95] =	sst lr;
	_ =	strace $0xD0000000  }
0x3: {  	_ = 	snop  }
0x4: {  	_ = 	snop  }
0x5: {  	_ = 	snop  }
0x6: {  	_ = 	snop  }
0x7: {  	_ = 	snop  }
__scs_overlays_trampoline_lowered:
0x8: {  	[smem:$0x3FA4] =	sst s0  }
0x9: {  	[smem:$0x3FA5] =	sst s1  }
0xa: {  	[smem:$0x3FA6] =	sst s2  }
0xb: {  	[smem:$0x3FA7] =	sst s3  }
0xc: {  	[smem:$0x3FA8] =	sst s4  }
0xd: {  	[smem:$0x3FA9] =	sst s5  }
0xe: {  	[smem:$0x3FAA] =	sst s6  }
0xf: {  	[smem:$0x3FAB] =	sst s7  }
0x10: {  	[smem:$0x3FAC] =	sst s8  }
0x11: {  	[smem:$0x3FAD] =	sst s9;
	s0 =	simm.s32 @!p0 $0x0  }
0x12: {  	s1 =	sld [smem:$0x3F93];
	s0 =	simm.s32 @p0 $0x1  }
0x13: {  	[smem:$0x3FAE] =	sst s0;
	s0 =	simm.s32 @!p1 $0x0  }
0x14: {  	s2 =	sld [smem:$0x3F92];
	s0 =	simm.s32 @p1 $0x1  }
0x15: {  	[smem:$0x3FAF] =	sst s0;
	s0 =	simm.s32 @!p2 $0x0  }
0x16: {  	s3 =	sld [smem:$0x3FDB];
	s0 =	simm.s32 @p2 $0x1  }
0x17: {  	s4 =	simm.s32 $0x1BF5;
	[smem:$0x3FB1] =	sst s0  }
0x18: {  	s0 =	sld [smem:$0x3F94];
	_ =	swait.ge [sflag:s4], $0x0  }
0x19: {  	s7 =	sld [smem:$0x3F95]  }
0x1a: {  	s8 =	sadd.s32 $0xFFFFE003, lr  }
0x1b: {  	s9 =	sadd.s32 $0xFFFFFEF7, lr;
	s5 =	simm.s32 $0xFFFFFFFF;
	p2 =	slt.u32 s8, $0xFFFFF086  }
0x1c: {  	p1 =	slt.u32 s9, $0xF7A;
	s5 =	simm.s32 @!p2 $0x0  }
0x1d: {  	s5 =	simm.s32 @p1 $0x1;
	p0 =	seq.s32 s7, s2  }
0x1e: {  	s7 =	smul.u32 @!p0 $0xF7A, s2;
	p2 =	seq.s32 @!p0 s5, $0x0  }
0x1f: {  	s9 =	smul.u32 $0xF7A, s1;
	s8 =	simm.s32 @!p0 $0x1BF5;
	p2 =	por !p2, p0  }
0x20: {  	[sflag:s8] =	ssyncset.s32 @!p0 $0xFFFFF086;
	s6 =	sadd.s32 @!p0 s3, s7;
	s7 =	simm.s32 @!p0 $0x108  }
0x21: {  	s3 =	sadd.s32 s3, s9;
	s6 =	sadd.s32 @!p0 $0x88, s6;
	s7 =	simm.s32 @p2 $0x1082  }
0x22: {  	[simem:s7], [sflag:s8] =	dma.local @!p0 [hbm:s6], $0xF7A  }
0x23: {  	s9 =	sor.u32 $0xD0000000, s2;
	s6 =	simm.s32 $0x108;
	_ =	swait.ge @!p0 [sflag:s8], $0x0  }
0x24: {  	s3 =	sadd.s32 $0x88, s3;
	s6 =	simm.s32 @!p1 $0x1082;
	[sflag:s4] =	ssyncset.s32 $0xFFFFF086  }
0x25: {  	[simem:s6], [sflag:s4] =	dma.local [hbm:s3], $0xF7A  }
0x26: {  	[smem:$0x3F95] =	sst s1;
	(tag) =	ssettag s2;
	_ =	strace s9  }
0x27: {  	s1 =	sld [smem:$0x3FA5]  }
0x28: {  	s2 =	sld [smem:$0x3FA6]  }
0x29: {  	s4 =	sld [smem:$0x3FA8]  }
0x2a: {  	p0 =	seq.s32 s5, $0x0;
	s5 =	sld [smem:$0x3FA9]  }
0x2b: {  	s6 =	sld [smem:$0x3FAA]  }
0x2c: {  	s7 =	sld [smem:$0x3FAB]  }
0x2d: {  	s3 =	simm.s32 $0x108;
	s8 =	sld [smem:$0x3FAC]  }
0x2e: {  	s3 =	simm.s32 @!p0 $0x1082;
	s9 =	sld [smem:$0x3FAD]  }
0x2f: {  	lr =	sadd.s32 s0, s3;
	s0 =	sld [smem:$0x3FA4]  }
0x30: {  	s3 =	sld [smem:$0x3FA7]  }
0x31: {  	[smem:$0x3FB0] =	sst s10  }
0x32: {  	s10 =	sld [smem:$0x3FAE];
	_ =	sdelay $0x3  }
0x33: {  	p0 =	seq.s32 s10, $0x1;
	s10 =	sld [smem:$0x3FB0];
	_ =	sdelay $0x3  }
0x34: {  	[smem:$0x3FB0] =	sst s10  }
0x35: {  	s10 =	sld [smem:$0x3FAF];
	_ =	sdelay $0x3  }
0x36: {  	p1 =	seq.s32 s10, $0x1;
	s10 =	sld [smem:$0x3FB0];
	_ =	sdelay $0x3  }
0x37: {  	[smem:$0x3FB0] =	sst s10  }
0x38: {  	s10 =	sld [smem:$0x3FB1]  }
0x39: {  	_ = 	snop;
	(pc) =	sbr.ind lr, $3  }
0x3a: {  	_ = 	snop  }
0x3b: {  	_ = 	snop  }
0x3c: {  	p2 =	seq.s32 s10, $0x1;
	s10 =	sld [smem:$0x3FB0]  }
0x3d: {  	_ =	shalt  }
0x3e: {  	_ =	shalt  }
0x3f: {  	_ =	shalt  }
0x40: {  	_ =	shalt  }
0x41: {  	_ =	shalt  }
0x42: {  	_ =	shalt  }
0x43: {  	_ =	shalt  }
0x44: {  	_ =	shalt  }
0x45: {  	_ =	shalt  }
0x46: {  	_ =	shalt  }
0x47: {  	_ =	shalt  }
0x48: {  	_ =	shalt  }
0x49: {  	_ =	shalt  }
0x4a: {  	_ =	shalt  }
0x4b: {  	_ =	shalt  }
0x4c: {  	_ =	shalt  }
0x4d: {  	_ =	shalt  }
0x4e: {  	_ =	shalt  }
0x4f: {  	_ =	shalt  }
0x50: {  	_ =	shalt  }
0x51: {  	_ =	shalt  }
0x52: {  	_ =	shalt  }
0x53: {  	_ =	shalt  }
0x54: {  	_ =	shalt  }
0x55: {  	_ =	shalt  }
0x56: {  	_ =	shalt  }
0x57: {  	_ =	shalt  }
0x58: {  	_ =	shalt  }
0x59: {  	_ =	shalt  }
0x5a: {  	_ =	shalt  }
0x5b: {  	_ =	shalt  }
0x5c: {  	_ =	shalt  }
0x5d: {  	_ =	shalt  }
0x5e: {  	_ =	shalt  }
0x5f: {  	_ =	shalt  }
0x60: {  	_ =	shalt  }
0x61: {  	_ =	shalt  }
0x62: {  	_ =	shalt  }
0x63: {  	_ =	shalt  }
0x64: {  	_ =	shalt  }
0x65: {  	_ =	shalt  }
0x66: {  	_ =	shalt  }
0x67: {  	_ =	shalt  }
0x68: {  	_ =	shalt  }
0x69: {  	_ =	shalt  }
0x6a: {  	_ =	shalt  }
0x6b: {  	_ =	shalt  }
0x6c: {  	_ =	shalt  }
0x6d: {  	_ =	shalt  }
0x6e: {  	_ =	shalt  }
0x6f: {  	_ =	shalt  }
0x70: {  	_ =	shalt  }
0x71: {  	_ =	shalt  }
0x72: {  	_ =	shalt  }
0x73: {  	_ =	shalt  }
0x74: {  	_ =	shalt  }
0x75: {  	_ =	shalt  }
0x76: {  	_ =	shalt  }
0x77: {  	_ =	shalt  }
0x78: {  	_ =	shalt  }
0x79: {  	_ =	shalt  }
0x7a: {  	_ =	shalt  }
0x7b: {  	_ =	shalt  }
0x7c: {  	_ =	shalt  }
0x7d: {  	_ =	shalt  }
0x7e: {  	_ =	shalt  }
0x7f: {  	_ =	shalt  }
0x80: {  	_ =	shalt  }
0x81: {  	_ =	shalt  }
0x82: {  	_ =	shalt  }
0x83: {  	_ =	shalt  }
0x84: {  	_ =	shalt  }
0x85: {  	_ =	shalt  }
0x86: {  	_ =	shalt  }
0x87: {  	_ =	shalt  }
.Lfunc_end0:
.L_simem_size_0:
called_computation.1_lowered:
.L_overlay_start_0:
0x88: {  	s2 =	sld [smem:$0x3FD9]  }
0x89: {  	s3 =	sld [smem:$0x3FFE];
	_ =	sdelay $0x1  }
0x8a: {  	s1 =	srdreg.scid  }
0x8b: {  	s0 =	sand.u32 $0x1, s1  }
0x8c: {  	s14 =	sshll.u32 s0, $0xA;
	s2 =	sadd.s32 s3, s2  }
0x8d: {  	s2 =	sadd.s32 s2, s14  }
0x8e: {  	[smem:$0x3FBC] =	sst s2  }
0x8f: {  	_ = 	snop  }
0x90: {  	s2 =	sld [smem:$0x3FD0];
	_ =	sdelay $0x2  }
0x91: {  	s15 =	simm.s32 $0xA;
	s4 =	simm.s32 $0x10  }
0x92: {  	[smem:s4], [sflag:s15] =	dma.local [hbm:s2], $0x1  }
0x93: {  	_ =	swait.eq [sflag:s15], $0x1  }
0x94: {  	[sflag:s15] =	ssyncset.done $0x0  }
0x95: {  	[sflag:s15] =	ssyncadd.s32 $0xFFFFFFFF  }
0x96: {  	s16 =	sld [smem:$0x12];
	(tm) =	ssettm $0x1  }
0x97: {  	s17 =	sld [smem:$0x3FFB];
	_ =	sdelay $0x3  }
0x98: {  	_ =	strace s17  }
0x99: {  	s3 =	sld [smem:$0x3FFC];
	_ =	sdelay $0x3  }
0x9a: {  	_ =	strace s3  }
0x9b: {  	s3 =	sld [smem:$0x3FFD];
	_ =	sdelay $0x3  }
0x9c: {  	_ =	strace s3  }
0x9d: {  	_ =	strace $0x8FFFFFFF  }
0x9e: {  	s18 =	sld [smem:$0x3FDB];
	_ =	sdelay $0x1  }
0x9f: {  	s19 =	simm.s32 $_scs_section_size  }
0xa0: {  	s5 =	simm.s32 $_size__tile_overlayer_lowered;
	s6 =	simm.s32 $_tile_overlayer_lowered  }
0xa1: {  	s22 =	simm.s32 $0x1BFF;
	s21 =	sshll.u32 s6, $0x1;
	s3 =	sadd.s32 s19, s18  }
0xa2: {  	s7 =	simm.s32 $0x0;
	s20 =	sshll.u32 s5, $0x1;
	s5 =	sadd.s32 s21, s3  }
0xa3: {  	[timem:s7], [sflag:s22] =	dma.local [hbm:s5], s20  }
0xa4: {  	_ =	swait.ge [sflag:s22], s20  }
0xa5: {  	s4 =	ssub.s32 $0x0, s20;
	[sflag:s22] =	ssyncset.done $0x0  }
0xa6: {  	[sflag:s22] =	ssyncadd.s32 s4;
	_ =	sdelay $0x1  }
0xa7: {  	s23 =	simm.s32 $0x1B8B  }
0xa8: {  	_ =	swait.ge [sflag:s23], $0x1  }
0xa9: {  	[sflag:s23] =	ssyncset.done $0x0  }
0xaa: {  	s25 =	simm.s32 $0x1B8E;
	s24 =	sld [smem:$0x3FFE];
	[sflag:s23] =	ssyncadd.s32 $0xFFFFFFFF  }
0xab: {  	s26 =	simm.s32 $execute0_lowered;
	[smem:$0x3FD2] =	sst s25  }
0xac: {  	s5 =	sshll.u32 s26, $0x1;
	_ =	strace $0x80000046;
	[dreg:$0x1] =	wrdreg $0xFFFFFFFF  }
0xad: {  	s28 =	simm.s32 $_size_execute0_lowered;
	s3 =	sadd.s32 s3, s5;
	[dreg:$0x0] =	wrdreg $0x0  }
0xae: {  	s5 =	sshll.u32 s28, $0x1;
	[dreg:$0x2] =	wrdreg s3  }
0xaf: {  	[dreg:$0x3] =	wrdreg s5  }
0xb0: {  	[dreg:$0x4] =	wrdreg $0xC0  }
0xb1: {  	_ =	task [dreg:s7], $0x5FFFF  }
0xb2: {  	[dreg:$0x1] =	wrdreg $0xFFFFFFFF  }
0xb3: {  	[dreg:$0x0] =	wrdreg $0x60  }
0xb4: {  	[dreg:$0x2] =	wrdreg s16  }
0xb5: {  	[dreg:$0x3] =	wrdreg s24  }
0xb6: {  	[dreg:$0x4] =	wrdreg $0x9  }
0xb7: {  	_ =	task.clear_ibuf [dreg:s7], $0x5FFFF;
	_ =	strace $0x90000046  }
0xb8: {  	s29 =	simm.s32 $0x9;
	_ =	strace $0x80000048  }
0xb9: {  	_ =	swait.ge [sflag:s29], $0x1  }
0xba: {  	[sflag:s29] =	ssyncadd.s32 $0xFFFFFFFF  }
0xbb: {  	_ =	strace $0x90000048  }
0xbc: {  	_ =	sfence  }
0xbd: {  	s30 =	sld [smem:$0x0];
	_ =	sdelay $0x2  }
0xbe: {  	s31 =	sshll.u32 s1, $0xD;
	s1 =	sshrl.u32 s1, $0x2  }
0xbf: {  	s3 =	sand.u32 $0x4000, s31;
	s1 =	sadd.s32 s1, s30  }
0xc0: {  	s0 =	sor.u32 s3, s0;
	s1 =	sshll.u32 s1, $0x11  }
0xc1: {  	s0 =	sor.u32 s1, s0  }
0xc2: {  	s0 =	sadd.s32 $0x8F2B, s0  }
0xc3: {  	[sflag:s0] =	ssyncadd.remote.s32 $0x1  }
0xc4: {  	_ =	sfence.sel $0xFFFF  }
0xc5: {  	[dreg:$0x0] =	wrdreg $0xFFFFFFFF;
	(pc) =	sbr.abs _section_cstart, $3  }
0xc6: {  	[dreg:$0x1] =	wrdreg $0xFFFFFFFF  }
0xc7: {  	_ =	task.clear_ibuf [dreg:s7], $0x2FFFF;
	_ =	strace $0x9FFFFFFF  }
0xc8: {  	(tm) =	ssettm $0x7FFFFFFF  }
0xc9: {  	_ =	shalt  }
tec
execute0_lowered:
.L_overlay_start_1:
0x0: {  	(tag) =	ssettag $0x1  }
0x1: {  	s1 =	srdreg.scid;
	s0 =	stileid.u32  }
0x2: {  	s4 =	rddreg [dreg:$0x0];
	s9 =	sand.u32 $0x1, s1;
	s24 =	sshll.u32 s0, $0x1  }
0x3: {  	s8 =	rddreg [dreg:$0x1];
	s10 =	sor.u32 s9, s24  }
0x4: {  	s2 =	simm.s32 $0x0;
	s1 =	rddreg [dreg:$0x2];
	s3 =	sshll.u32 s10, $0x4  }
0x5: {  	[smem:$0x7FF] =	sst s2;
	s6 =	sadd.s32 s3, s8  }
0x6: {  	_ =	strace $0x80000047;
	s3 =	simm.s32 $0x3;
	s5 =	sadd.s32 $0x5C00, s6  }
0x7: {  	[tilespmem:s2], [sflag:$0x3] =	stream.linear.gather [hbm4b:s5+s2], $0x80, $0x38;
	[tilespmem:$0x8200] =	vst v63  }
0x8: {  	_ =	swait.ge [sflag:s3], $0x80  }
0x9: {  	[sflag:s3] =	ssyncset.done $0x0  }
0xa: {  	s7 =	sadd.s32 $0x5A00, s6;
	s6 =	simm.s32 $0x80;
	[sflag:s3] =	ssyncadd.s32 $0xFFFFFF80  }
0xb: {  	[tilespmem:s6], [sflag:$0x3] =	stream.linear.gather [hbm4b:s7+s2], $0x80, $0x38;
	[tilespmem:$0x8200] =	vst v63  }
0xc: {  	_ =	swait.ge [sflag:s3], $0x80  }
0xd: {  	[sflag:s3] =	ssyncset.done $0x0  }
0xe: {  	[sflag:s3] =	ssyncadd.s32 $0xFFFFFF80  }
0xf: {  	v2 =	vld [tilespmem:$0xF0]  }
0x10: {  	v0 =	vlaneseq.u32;
	v3 =	vld [tilespmem:$0xD0]  }
0x11: {  	v7 =	vmul.u32 $0x200, v0;
	s11 =	sshll.u32 s10, $0x10;
	v6 =	vld [tilespmem:$0x50]  }
0x12: {  	s12 =	sor.u32 $0xE000, s11;
	v4 =	vld [tilespmem:$0xE0]  }
0x13: {  	s13 =	sor.u32 $0xA000, s11;
	v0 =	vor.u32 s12, v7;
	v5 =	vld [tilespmem:$0x70]  }
0x14: {  	v1 =	vor.u32 s13, v7;
	v8 =	vld [tilespmem:$0xC0];
	v9 =	vadd.s32 v2, v0  }
0x15: {  	s25 =	sor.u32 $0xC000, s11;
	v10 =	vld [tilespmem:$0x40];
	v3 =	vadd.s32 v3, v1;
	v9 =	vshrl.u32 v9, $0x1  }
0x16: {  	v11 =	vld [tilespmem:$0xB0];
	v2 =	vor.u32 s25, v7;
	v6 =	vadd.s32 v6, v1;
	v3 =	vshrl.u32 v3, $0x1;
	[tilespmem:$0x1F0] =	vst v9  }
0x17: {  	s26 =	sor.u32 $0x8000, s11;
	v54 =	vld [tilespmem:$0x30];
	v4 =	vadd.s32 v4, v2;
	v6 =	vshrl.u32 v6, $0x1;
	[tilespmem:$0x1D0] =	vst v3  }
0x18: {  	v12 =	vld [tilespmem:$0xA0];
	v5 =	vadd.s32 v5, v0;
	v4 =	vshrl.u32 v4, $0x1;
	v3 =	vor.u32 s26, v7;
	[tilespmem:$0x150] =	vst v6  }
0x19: {  	s28 =	sor.u32 $0x6000, s11;
	v13 =	vld [tilespmem:$0x20];
	[tilespmem:$0x1E0] =	vst v4;
	v4 =	vshrl.u32 v5, $0x1;
	v5 =	vadd.s32 v8, v3  }
0x1a: {  	v8 =	vld [tilespmem:$0x90];
	v10 =	vadd.s32 v10, v3;
	[tilespmem:$0x170] =	vst v4;
	v4 =	vor.u32 s28, v7;
	v5 =	vshrl.u32 v5, $0x1  }
0x1b: {  	s29 =	sor.u32 $0x4000, s11;
	v14 =	vld [tilespmem:$0x10];
	v10 =	vshrl.u32 v10, $0x1;
	v6 =	vadd.s32 v11, v4;
	[tilespmem:$0x1C0] =	vst v5  }
0x1c: {  	v15 =	vld [tilespmem:$0x0];
	v5 =	vor.u32 s29, v7;
	v9 =	vadd.s32 v54, v4;
	[tilespmem:$0x140] =	vst v10;
	v6 =	vshrl.u32 v6, $0x1  }
0x1d: {  	s9 =	ssub.s32 $0x2, s9;
	s30 =	sor.u32 $0x2000, s11;
	v55 =	vld [tilespmem:$0x80];
	v56 =	vadd.s32 v12, v5;
	v9 =	vshrl.u32 v9, $0x1;
	[tilespmem:$0x1B0] =	vst v6  }
0x1e: {  	s10 =	sshll.u32 s10, $0xB;
	s31 =	sshrl.u32 s9, $0x1;
	v57 =	vld [tilespmem:$0x60];
	v13 =	vadd.s32 v13, v5;
	v6 =	vor.u32 s30, v7;
	v10 =	vshrl.u32 v56, $0x1;
	[tilespmem:$0x130] =	vst v9  }
0x1f: {  	s8 =	sadd.s32 s10, s8;
	s10 =	ssub.s32 s9, s31;
	v58 =	vshrl.u32 v13, $0x1;
	v8 =	vadd.s32 v8, v6;
	[tilespmem:$0x1A0] =	vst v10  }
0x20: {  	s16 =	smax.u32 s10, $0x1;
	v7 =	vor.u32 s11, v7;
	v59 =	vadd.s32 v14, v6;
	[tilespmem:$0x120] =	vst v58;
	v8 =	vshrl.u32 v8, $0x1  }
0x21: {  	p0 =	sne.s32 s16, $0x1;
	v62 =	vadd.s32 v15, v7;
	v10 =	vshrl.u32 v59, $0x1;
	[tilespmem:$0x190] =	vst v8  }
.Ltmp0:
0x22: {  	v60 =	vadd.s32 v55, v7;
	v63 =	vshrl.u32 v62, $0x1;
	[tilespmem:$0x110] =	vst v10;
	(pc) =	sbr.rel @!p0 .LBB2_2-.Ltmp0, $4  }
0x23: {  	s14 =	simm.s32 $0x180;
	s15 =	simm.s32 $0x1;
	s9 =	sadd.s32 $0x5E00, s8;
	v61 =	vadd.s32 v57, v2;
	v8 =	vshrl.u32 v60, $0x1;
	[tilespmem:$0x100] =	vst v63  }
0x24: {  	s8 =	sadd.s32 $0x15E00, s8;
	s12 =	simm.s32 $0x100;
	s10 =	simm.s32 $0x200;
	[tilespmem:$0x180] =	vst v8;
	v8 =	vshrl.u32 v61, $0x1  }
0x25: {  	s13 =	simm.s32 $0x2;
	s16 =	sadd.s32 $0xFFFFFFFF, s16;
	s11 =	simm.s32 $0x4200;
	[tilespmem:$0x160] =	vst v8  }
0x26: {  	[tilespmem:s10], [sflag:$0x1] =	stream.indirect.gather [hbm4b:s4+s6], $0x80, s12, s6, $0xb8;
	[tilespmem:$0x8200] =	vst v63  }
.LBB2_1:
0x27: {  	p0 =	sne.s32 s16, $0x1;
	s16 =	sadd.s32 $0xFFFFFFFF, s16  }
0x28: {  	[tilespmem:s11], [sflag:$0x2] =	stream.indirect.gather [hbm4b:s4+s6], $0x80, s14, s6, $0xb8;
	[tilespmem:$0x8200] =	vst v63  }
0x29: {  	_ =	swait.ge [sflag:s15], $0x4000  }
0x2a: {  	[sflag:s15] =	ssyncset.done $0x0  }
0x2b: {  	[sflag:s15] =	ssyncadd.s32 $0xFFFFC000  }
0x2c: {  	_ =	swait.ge [sflag:s13], $0x4000  }
0x2d: {  	[sflag:s13] =	ssyncset.done $0x0  }
0x2e: {  	[sflag:s13] =	ssyncadd.s32 $0xFFFFC000  }
0x2f: {  	[hbm4b:s9+s2] =	stream.linear.scatter [tilespmem:s10], [sflag:$0x3], $0x4000, $0x38;
	[tilespmem:$0x8200] =	vst v63  }
0x30: {  	_ =	swait.ge [sflag:s3], $0x4000  }
0x31: {  	[sflag:s3] =	ssyncset.done $0x0  }
0x32: {  	[sflag:s3] =	ssyncadd.s32 $0xFFFFC000  }
0x33: {  	[hbm4b:s8+s2] =	stream.linear.scatter [tilespmem:s11], [sflag:$0x3], $0x4000, $0x38;
	[tilespmem:$0x8200] =	vst v63  }
0x34: {  	_ =	swait.ge [sflag:s3], $0x4000  }
0x35: {  	[sflag:s3] =	ssyncset.done $0x0  }
0x36: {  	[sflag:s3] =	ssyncadd.s32 $0xFFFFC000  }
0x37: {  	[tilespmem:s2], [sflag:$0x3] =	stream.linear.gather [hbm4b:s5+s2], $0x80, $0x38;
	[tilespmem:$0x8200] =	vst v63  }
0x38: {  	_ =	swait.ge [sflag:s3], $0x80  }
0x39: {  	[sflag:s3] =	ssyncset.done $0x0  }
0x3a: {  	[sflag:s3] =	ssyncadd.s32 $0xFFFFFF80  }
0x3b: {  	[tilespmem:s6], [sflag:$0x3] =	stream.linear.gather [hbm4b:s7+s2], $0x80, $0x38;
	[tilespmem:$0x8200] =	vst v63  }
0x3c: {  	_ =	swait.ge [sflag:s3], $0x80  }
0x3d: {  	[sflag:s3] =	ssyncset.done $0x0  }
0x3e: {  	[sflag:s3] =	ssyncadd.s32 $0xFFFFFF80  }
0x3f: {  	v8 =	vld [tilespmem:$0xF0]  }
0x40: {  	v9 =	vld [tilespmem:$0xD0]  }
0x41: {  	v10 =	vld [tilespmem:$0xE0]  }
0x42: {  	v11 =	vld [tilespmem:$0x70]  }
0x43: {  	v12 =	vld [tilespmem:$0x50]  }
0x44: {  	v13 =	vld [tilespmem:$0xC0];
	v8 =	vadd.s32 v8, v0  }
0x45: {  	v14 =	vld [tilespmem:$0x40];
	v9 =	vadd.s32 v9, v1;
	v8 =	vshrl.u32 v8, $0x1  }
0x46: {  	v15 =	vld [tilespmem:$0xB0];
	v9 =	vshrl.u32 v9, $0x1;
	v10 =	vadd.s32 v10, v2;
	[tilespmem:$0x1F0] =	vst v8  }
0x47: {  	v8 =	vld [tilespmem:$0x30];
	[tilespmem:$0x1D0] =	vst v9;
	v9 =	vshrl.u32 v10, $0x1;
	v10 =	vadd.s32 v11, v0  }
0x48: {  	v11 =	vld [tilespmem:$0xA0];
	v12 =	vadd.s32 v12, v1;
	[tilespmem:$0x1E0] =	vst v9;
	v9 =	vshrl.u32 v10, $0x1  }
0x49: {  	v10 =	vld [tilespmem:$0x20];
	v13 =	vadd.s32 v13, v3;
	v12 =	vshrl.u32 v12, $0x1;
	[tilespmem:$0x170] =	vst v9  }
0x4a: {  	v9 =	vld [tilespmem:$0x90];
	v14 =	vadd.s32 v14, v3;
	v13 =	vshrl.u32 v13, $0x1;
	[tilespmem:$0x150] =	vst v12  }
0x4b: {  	v12 =	vld [tilespmem:$0x10];
	v15 =	vadd.s32 v15, v4;
	v14 =	vshrl.u32 v14, $0x1;
	[tilespmem:$0x1C0] =	vst v13  }
0x4c: {  	v13 =	vld [tilespmem:$0x80];
	v8 =	vadd.s32 v8, v4;
	v15 =	vshrl.u32 v15, $0x1;
	[tilespmem:$0x140] =	vst v14  }
0x4d: {  	v11 =	vadd.s32 v11, v5;
	v8 =	vshrl.u32 v8, $0x1;
	[tilespmem:$0x1B0] =	vst v15;
	v14 =	vld [tilespmem:$0x60]  }
0x4e: {  	v15 =	vld [tilespmem:$0x0];
	v10 =	vadd.s32 v10, v5;
	v11 =	vshrl.u32 v11, $0x1;
	[tilespmem:$0x130] =	vst v8  }
0x4f: {  	v8 =	vadd.s32 v9, v6;
	v9 =	vshrl.u32 v10, $0x1;
	[tilespmem:$0x1A0] =	vst v11  }
0x50: {  	v10 =	vadd.s32 v12, v6;
	v8 =	vshrl.u32 v8, $0x1;
	[tilespmem:$0x120] =	vst v9  }
0x51: {  	v9 =	vadd.s32 v13, v7;
	v10 =	vshrl.u32 v10, $0x1;
	[tilespmem:$0x190] =	vst v8  }
.Ltmp1:
0x52: {  	v8 =	vshrl.u32 v9, $0x1;
	[tilespmem:$0x110] =	vst v10;
	v9 =	vadd.s32 v14, v2;
	(pc) =	sbr.rel @p0 .LBB2_1-.Ltmp1, $4  }
0x53: {  	v10 =	vadd.s32 v15, v7;
	[tilespmem:$0x180] =	vst v8;
	v8 =	vshrl.u32 v9, $0x1  }
0x54: {  	v9 =	vshrl.u32 v10, $0x1;
	[tilespmem:$0x160] =	vst v8  }
0x55: {  	[tilespmem:$0x100] =	vst v9  }
0x56: {  	[tilespmem:s10], [sflag:$0x1] =	stream.indirect.gather [hbm4b:s4+s6], $0x80, s12, s6, $0xb8;
	[tilespmem:$0x8200] =	vst v63  }
.LBB2_2:
0x57: {  	[tilespmem:s11], [sflag:$0x2] =	stream.indirect.gather [hbm4b:s4+s6], $0x80, s14, s6, $0xb8;
	[tilespmem:$0x8200] =	vst v63  }
0x58: {  	_ =	swait.ge [sflag:s15], $0x4000  }
0x59: {  	[sflag:s15] =	ssyncset.done $0x0  }
0x5a: {  	[sflag:s15] =	ssyncadd.s32 $0xFFFFC000  }
0x5b: {  	_ =	swait.ge [sflag:s13], $0x4000  }
0x5c: {  	[sflag:s13] =	ssyncset.done $0x0  }
0x5d: {  	[sflag:s13] =	ssyncadd.s32 $0xFFFFC000  }
0x5e: {  	[hbm4b:s9+s2] =	stream.linear.scatter [tilespmem:s10], [sflag:$0x3], $0x4000, $0x38;
	[tilespmem:$0x8200] =	vst v63  }
0x5f: {  	_ =	swait.ge [sflag:s3], $0x4000  }
0x60: {  	[sflag:s3] =	ssyncset.done $0x0  }
0x61: {  	[sflag:s3] =	ssyncadd.s32 $0xFFFFC000  }
0x62: {  	[hbm4b:s8+s2] =	stream.linear.scatter [tilespmem:s11], [sflag:$0x3], $0x4000, $0x38;
	[tilespmem:$0x8200] =	vst v63  }
0x63: {  	_ =	swait.ge [sflag:s3], $0x4000  }
0x64: {  	[sflag:s3] =	ssyncset.done $0x0  }
0x65: {  	[sflag:s3] =	ssyncadd.s32 $0xFFFFC000  }
0x66: {  	_ =	sfence.sel $0x180000  }
0x67: {  	[bflag:$0x0] =	sbarrier.arrive $0xFFFF  }
0x68: {  	p0 =	sne.s32 s0, $0x0;
	_ =	strace $0x90000047  }
0x69: {  	s0 =	sadd.s32 @!p0 $0x100000, s1;
	[bflag:$0x2] =	sbarrier.arrive $0xFFFF  }
0x6a: {  	[sflag:s0] =	ssyncadd.tile.s32 @!p0 $0x1;
	_ =	shalt  }
.Lfunc_end2:
_tile_overlayer_lowered:
.L_overlay_start_2:
0x6b: {  	(tag) =	ssettag $0x2  }
0x6c: {  	s0 =	rddreg [dreg:$0x0];
	s2 =	stileid.u32  }
0x6d: {  	s1 =	rddreg [dreg:$0x1];
	p0 =	sne.s32 s2, $0x0  }
0x6e: {  	s3 =	rddreg [dreg:$0x2];
	[bflag:$0x3] =	sbarrier.arrive $0xFFFF;
	s2 =	simm.s32 @!p0 $0x1C03  }
0x6f: {  	[timem:s3], [sflag:s2] =	dma.local @!p0 [hbm:s0], s1  }
0x70: {  	s0 =	simm.s32 @!p0 $0x3  }
0x71: {  	_ =	swait.ge @!p0 [sflag:s0], s1  }
0x72: {  	s1 =	ssub.s32 @!p0 $0x0, s1;
	[sflag:s0] =	ssyncset.done @!p0 $0x0  }
0x73: {  	[sflag:s0] =	ssyncadd.s32 @!p0 s1  }
0x74: {  	[bflag:$0x3] =	sbarrier.arrive $0xFFFF  }
0x75: {  	_ =	shalt  }

// kernel: sparse-core-data-format-call.cloned.1.call-start
scs
called_computation_lowered:
.L_overlay_start_0:
0x0: {  	s2 =	sld [smem:$0x3FD9]  }
0x1: {  	s3 =	sld [smem:$0x3FFE];
	_ =	sdelay $0x1  }
0x2: {  	s1 =	srdreg.scid  }
0x3: {  	s0 =	sand.u32 $0x1, s1  }
0x4: {  	s15 =	sshll.u32 s0, $0xA;
	s2 =	sadd.s32 s3, s2  }
0x5: {  	s2 =	sadd.s32 s2, s15  }
0x6: {  	[smem:$0x3FBC] =	sst s2  }
0x7: {  	_ = 	snop  }
0x8: {  	s2 =	sld [smem:$0x3FD0];
	_ =	sdelay $0x2  }
0x9: {  	s16 =	simm.s32 $0xA;
	s4 =	simm.s32 $0x10  }
0xa: {  	[smem:s4], [sflag:s16] =	dma.local [hbm:s2], $0x1  }
0xb: {  	_ =	swait.eq [sflag:s16], $0x1  }
0xc: {  	[sflag:s16] =	ssyncset.done $0x0  }
0xd: {  	[sflag:s16] =	ssyncadd.s32 $0xFFFFFFFF  }
0xe: {  	s17 =	sld [smem:$0x12];
	(tm) =	ssettm $0x1  }
0xf: {  	s18 =	sld [smem:$0x3FFB];
	_ =	sdelay $0x3  }
0x10: {  	_ =	strace s18  }
0x11: {  	s3 =	sld [smem:$0x3FFC];
	_ =	sdelay $0x3  }
0x12: {  	_ =	strace s3  }
0x13: {  	s3 =	sld [smem:$0x3FFD];
	_ =	sdelay $0x3  }
0x14: {  	_ =	strace s3  }
0x15: {  	_ =	strace $0x8FFFFFFF  }
0x16: {  	s19 =	sld [smem:$0x3FDB];
	_ =	sdelay $0x1  }
0x17: {  	s20 =	simm.s32 $_scs_section_size  }
0x18: {  	s5 =	simm.s32 $_size__tile_overlayer_lowered;
	s6 =	simm.s32 $_tile_overlayer_lowered  }
0x19: {  	s23 =	simm.s32 $0x1BFF;
	s22 =	sshll.u32 s6, $0x1;
	s3 =	sadd.s32 s20, s19  }
0x1a: {  	s7 =	simm.s32 $0x0;
	s21 =	sshll.u32 s5, $0x1;
	s5 =	sadd.s32 s22, s3  }
0x1b: {  	[timem:s7], [sflag:s23] =	dma.local [hbm:s5], s21  }
0x1c: {  	_ =	swait.ge [sflag:s23], s21  }
0x1d: {  	s4 =	ssub.s32 $0x0, s21;
	[sflag:s23] =	ssyncset.done $0x0  }
0x1e: {  	[sflag:s23] =	ssyncadd.s32 s4;
	_ =	sdelay $0x1  }
0x1f: {  	s24 =	simm.s32 $0x1B8B  }
0x20: {  	_ =	swait.ge [sflag:s24], $0x1  }
0x21: {  	[sflag:s24] =	ssyncset.done $0x0  }
0x22: {  	s26 =	simm.s32 $0x1B8E;
	s25 =	sld [smem:$0x3FFE];
	[sflag:s24] =	ssyncadd.s32 $0xFFFFFFFF  }
0x23: {  	s27 =	simm.s32 $execute0_lowered;
	[smem:$0x3FD2] =	sst s26  }
0x24: {  	s5 =	sshll.u32 s27, $0x1;
	_ =	strace $0x80000049;
	[dreg:$0x1] =	wrdreg $0xFFFFFFFF  }
0x25: {  	s28 =	simm.s32 $_size_execute0_lowered;
	s3 =	sadd.s32 s3, s5;
	[dreg:$0x0] =	wrdreg $0x0  }
0x26: {  	s5 =	sshll.u32 s28, $0x1;
	[dreg:$0x2] =	wrdreg s3  }
0x27: {  	[dreg:$0x3] =	wrdreg s5  }
0x28: {  	[dreg:$0x4] =	wrdreg $0xC0  }
0x29: {  	_ =	task [dreg:s7], $0x5FFFF  }
0x2a: {  	[dreg:$0x1] =	wrdreg $0xFFFFFFFF  }
0x2b: {  	[dreg:$0x0] =	wrdreg $0x60  }
0x2c: {  	[dreg:$0x2] =	wrdreg s25  }
0x2d: {  	[dreg:$0x3] =	wrdreg s17  }
0x2e: {  	[dreg:$0x4] =	wrdreg $0x9  }
0x2f: {  	_ =	task.clear_ibuf [dreg:s7], $0x5FFFF;
	_ =	strace $0x90000049  }
0x30: {  	s29 =	simm.s32 $0x9;
	_ =	strace $0x8000004B  }
0x31: {  	_ =	swait.ge [sflag:s29], $0x1  }
0x32: {  	[sflag:s29] =	ssyncadd.s32 $0xFFFFFFFF  }
0x33: {  	_ =	strace $0x9000004B  }
0x34: {  	_ =	sfence  }
0x35: {  	s30 =	sld [smem:$0x0];
	_ =	sdelay $0x2  }
0x36: {  	s31 =	sshll.u32 s1, $0xD;
	s1 =	sshrl.u32 s1, $0x2  }
0x37: {  	s3 =	sand.u32 $0x4000, s31;
	s1 =	sadd.s32 s1, s30  }
0x38: {  	s0 =	sor.u32 s3, s0;
	s1 =	sshll.u32 s1, $0x11  }
0x39: {  	s0 =	sor.u32 s1, s0  }
0x3a: {  	s0 =	sadd.s32 $0x8F2B, s0  }
0x3b: {  	[sflag:s0] =	ssyncadd.remote.s32 $0x1  }
0x3c: {  	_ =	sfence.sel $0xFFFF  }
0x3d: {  	[dreg:$0x0] =	wrdreg $0xFFFFFFFF;
	(pc) =	sbr.abs _section_cstart, $3  }
0x3e: {  	[dreg:$0x1] =	wrdreg $0xFFFFFFFF  }
0x3f: {  	_ =	task.clear_ibuf [dreg:s7], $0x2FFFF;
	_ =	strace $0x9FFFFFFF  }
0x40: {  	(tm) =	ssettm $0x7FFFFFFF  }
0x41: {  	_ =	shalt  }
tec
execute0_lowered:
.L_overlay_start_1:
0x0: {  	(tag) =	ssettag $0x1  }
0x1: {  	s4 =	rddreg [dreg:$0x0]  }
0x2: {  	s0 =	stileid.u32;
	s2 =	rddreg [dreg:$0x1]  }
0x3: {  	s1 =	rddreg [dreg:$0x2];
	_ =	strace $0x8000004A;
	s5 =	srdreg.scid  }
0x4: {  	s31 =	simm.s32 $0x2;
	s14 =	simm.s32 $0x0;
	s9 =	simm.s32 $0x8000  }
0x5: {  	s16 =	simm.s32 $0x0;
	s15 =	simm.s32 $0x0;
	s3 =	sshll.u32 s0, $0x7  }
0x6: {  	s10 =	simm.s32 $0x0;
	s5 =	sshll.u32 s5, $0x4;
	s3 =	sand.u32 $0x180, s3  }
0x7: {  	s13 =	simm.s32 $0x0;
	s5 =	sand.u32 $0x10, s5;
	s6 =	ssub.s32 $0x200, s3  }
0x8: {  	s4 =	sadd.s32 $0x25A00, s4;
	s5 =	sor.u32 s0, s5;
	s7 =	sand.u32 $0x180, s6  }
.Ltmp0:
0x9: {  	p0 =	sne.s32 s7, $0x0;
	s7 =	simm.s32 $0x1;
	(pc) =	sbr.rel .LBB1_1-.Ltmp0, $4  }
0xa: {  	s12 =	smov.u32 s3;
	s8 =	sshrl.u32 s6, $0x9;
	s7 =	simm.s32 @!p0 $0x0  }
0xb: {  	s5 =	sshrl.u32 s5, $0x2;
	s6 =	simm.s32 $0x1;
	s7 =	sadd.s32 s7, s8  }
0xc: {  	[sflag:s6] =	ssyncpa.u1 $0x0;
	s11 =	smov.u32 s5;
	s7 =	sshll.u32 s7, $0x8  }
0xd: {  	[sflag:s31] =	ssyncpa.u1 $0x0;
	p0 =	por $0x0, $0x0;
	s8 =	sor.u32 $0x1, s7  }
.LBB1_4:
0xe: {  	v5 =	vld [tilespmem:s19+$0xFFFFFFD0];
	[tilespmem:s20+$0x2040 ss:$0x81] =	vst.msk $0xffff, v1  }
0xf: {  	v58 =	vld [tilespmem:s19+$0xFFFFFFE0];
	[tilespmem:s20+$0x2850 ss:$0x81] =	vst.msk $0xffff, v2  }
0x10: {  	s21 =	sshra.s32 s21, $0x2;
	v59 =	vld [tilespmem:s19+$0xFFFFFFF0];
	[tilespmem:s20+$0x3060 ss:$0x81] =	vst.msk $0xffff, v3  }
0x11: {  	v60 =	vld [tilespmem:s19+$0x0];
	[tilespmem:s20+$0x0 ss:$0x81] =	vst.msk $0xffff, v0;
	s18 =	sadd.s32 s21, s18  }
0x12: {  	v61 =	vld [tilespmem:s19+$0x10];
	s25 =	sshll.u32 s16, $0x9;
	[tilespmem:s18+$0x3870 ss:$0x81] =	vst.msk $0xffff, v4  }
0x13: {  	s26 =	sshll.u32 s15, $0x3;
	v62 =	vld [tilespmem:s19+$0x20];
	s27 =	sshll.u32 s16, $0x7;
	s30 =	sand.u32 $0x78, s15;
	[tilespmem:s18+$0x810 ss:$0x81] =	vst.msk $0xffff, v5  }
0x14: {  	v63 =	vld [tilespmem:s19+$0xFFFFFFC0];
	s14 =	sshll.u32 s14, $0xC;
	s20 =	sand.u32 $0x7000, s25;
	s21 =	sand.u32 $0x7C00, s26;
	[tilespmem:s18+$0x1020 ss:$0x81] =	vst.msk $0xffff, v58  }
0x15: {  	s29 =	sand.u32 $0x200, s27;
	s16 =	sand.u32 $0x180, s27;
	s28 =	sadd.s32 s21, s20;
	[tilespmem:s18+$0x1830 ss:$0x81] =	vst.msk $0xffff, v59  }
0x16: {  	s31 =	sand.u32 $0x7, s15;
	s16 =	sor.u32 s30, s16;
	s19 =	sor.u32 s29, s28;
	[tilespmem:s18+$0x2040 ss:$0x81] =	vst.msk $0xffff, v60  }
0x17: {  	s14 =	sadd.s32 s2, s14;
	s16 =	sshrl.u32 s16, $0x3;
	s19 =	sshrl.u32 s19, $0x3;
	[tilespmem:s18+$0x2850 ss:$0x81] =	vst.msk $0xffff, v61  }
0x18: {  	s15 =	sshll.u32 s31, $0x12;
	s14 =	sadd.s32 s16, s14;
	[tilespmem:s18+$0x3060 ss:$0x81] =	vst.msk $0xffff, v62;
	s19 =	sand.u32 $0xFC0, s19  }
0x19: {  	s15 =	sor.u32 $0x80, s15;
	[tilespmem:s18+$0x0 ss:$0x81] =	vst.msk $0xffff, v63;
	s14 =	sadd.s32 s19, s14  }
0x1a: {  	[hbm4b:s14+s15] =	stream.strided.scatter [tilespmem:s17], [sflag:$0x2], $0x4000, s9, s15, $0x20;
	[tilespmem:$0x10100] =	vst v63  }
.LBB1_5:
0x1b: {  	s17 =	sadd.s32 $0x80, s10  }
0x1c: {  	s14 =	sadd.s32 $0x8, s11;
	s18 =	smov.u32 s11;
	p2 =	sgt.s32 s17, $0xFFF  }
0x1d: {  	s18 =	smov.u32 @p2 s14  }
0x1e: {  	s20 =	smov.u32 s12;
	s14 =	sadd.s32 $0x200, s12;
	p3 =	sgt.s32 s18, $0x3F  }
0x1f: {  	s20 =	smov.u32 @p3 s14  }
0x20: {  	s17 =	simm.s32 @p2 $0x0;
	p2 =	sgt.s32 s20, $0x1FF  }
0x21: {  	p1 =	slt.u32 s13, $0x2;
	s20 =	smov.u32 @p2 s3;
	p2 =	sne.s32 s13, s8  }
.Ltmp1:
0x22: {  	s19 =	simm.s32 @!p1 $0x2;
	(pc) =	sbr.rel @!p2 .LBB1_6-.Ltmp1, $4  }
0x23: {  	s16 =	smov.u32 s11;
	s15 =	smov.u32 s12;
	_ =	swait.ge @!p1 [sflag:s19], $0x4000  }
0x24: {  	p0 =	por !p0, !p0;
	[sflag:s19] =	ssyncset.done @!p1 $0x0;
	s18 =	smov.u32 @p3 s5  }
0x25: {  	s14 =	smov.u32 s10;
	[sflag:s19] =	ssyncadd.s32 @!p1 $0xFFFFC000;
	s10 =	smov.u32 s17  }
0x26: {  	s11 =	smov.u32 s18;
	s13 =	sadd.s32 $0x1, s13;
	s12 =	smov.u32 s20  }
.LBB1_1:
0x27: {  	p1 =	sge.u32 s13, s7;
	s31 =	sadd.s32 $0xFFFFFFFF, s13  }
0x28: {  	s17 =	sxor.u32 @!p1 $0xFFFFFFFF, s13;
	s18 =	sand.u32 @!p1 $0x78, s10;
	s19 =	sshll.u32 @!p1 s11, $0xC  }
0x29: {  	s20 =	sshll.u32 @!p1 s11, $0x7;
	s21 =	sshll.u32 @!p1 s10, $0x3;
	s17 =	sshll.u32 @!p1 s17, $0xE  }
0x2a: {  	s19 =	sand.u32 @!p1 $0x38000, s19;
	s20 =	sand.u32 @!p1 $0x380, s20;
	s17 =	sand.u32 @!p1 $0x4000, s17  }
0x2b: {  	s19 =	sadd.s32 @!p1 s19, s21;
	s21 =	sand.u32 @!p1 $0xC00, s21;
	s18 =	sor.u32 @!p1 s20, s18  }
0x2c: {  	s20 =	sshll.u32 @!p1 s12, $0xF;
	s18 =	sor.u32 @!p1 s21, s18;
	s19 =	sshrl.u32 @!p1 s19, $0x3  }
0x2d: {  	s20 =	sadd.s32 @!p1 s4, s20;
	s21 =	sand.u32 @!p1 $0x7, s10;
	s19 =	sand.u32 @!p1 $0x7E00, s19  }
0x2e: {  	s18 =	sshrl.u32 @!p1 s18, $0x3;
	s19 =	sadd.s32 @!p1 s19, s20;
	s20 =	sshll.u32 @!p1 s21, $0x12  }
0x2f: {  	s18 =	sadd.s32 @!p1 s18, s19;
	s19 =	sor.u32 @!p1 $0x80, s20;
	s20 =	simm.s32 @!p1 $0x40000  }
0x30: {  	[tilespmem:s17], [sflag:$0x1] =	stream.strided.gather @!p1 [hbm4b:s18+s19], $0x4000, s20, s19, $0x38;
	[tilespmem:$0x10100] =	vst v63  }
0x31: {  	p1 =	sge.u32 s31, s7  }
.Ltmp2:
0x32: {  	_ = 	snop;
	(pc) =	sbr.rel @p1 .LBB1_5-.Ltmp2, $1  }
0x33: {  	_ =	sdelay $0x3  }
0x34: {  	s17 =	simm.s32 $0x1  }
0x35: {  	_ =	swait.ge [sflag:s6], $0x4000;
	s17 =	simm.s32 @!p0 $0x0  }
0x36: {  	[sflag:s6] =	ssyncset.done $0x0;
	s18 =	sshll.u32 s17, $0xE  }
0x37: {  	[sflag:s6] =	ssyncadd.s32 $0xFFFFC000;
	s19 =	sor.u32 $0x40, s18  }
0x38: {  	s17 =	smul.u32 $0x10200, s17;
	v0 =	vld [tilespmem:s19+$0x30]  }
0x39: {  	v3 =	vld [tilespmem:s19+$0xFFFFFFD0]  }
0x3a: {  	s17 =	sshrl.u32 s17, $0x2;
	v4 =	vld [tilespmem:s19+$0xFFFFFFE0]  }
0x3b: {  	v5 =	vld [tilespmem:s19+$0xFFFFFFF0];
	s18 =	sor.u32 $0x8000, s17  }
0x3c: {  	s31 =	sand.u32 $0x1, s13;
	v1 =	vld [tilespmem:s19+$0x0];
	s20 =	sadd.s32 $0x0, s18  }
0x3d: {  	v2 =	vld [tilespmem:s19+$0x10];
	s17 =	smul.u32 $0x10200, s31;
	[tilespmem:s20+$0x3870 ss:$0x81] =	vst.msk $0xffff, v0  }
0x3e: {  	[tilespmem:s20+$0x810 ss:$0x81] =	vst.msk $0xffff, v3;
	v3 =	vld [tilespmem:s19+$0x20]  }
0x3f: {  	s17 =	sshrl.u32 s17, $0x2;
	v0 =	vld [tilespmem:s19+$0xFFFFFFC0];
	[tilespmem:s20+$0x1020 ss:$0x81] =	vst.msk $0xffff, v4;
	s19 =	sadd.s32 $0x80, s19  }
0x40: {  	s21 =	simm.s32 $0x4;
	s22 =	simm.s32 $0x8;
	s17 =	sor.u32 $0x8000, s17;
	[tilespmem:s20+$0x1830 ss:$0x81] =	vst.msk $0xffff, v5;
	v4 =	vld [tilespmem:s19+$0x30]  }
.LBB1_3:
0x41: {  	p1 =	sne.s32 s22, $0x1FC;
	v5 =	vld [tilespmem:s19+$0xFFFFFFD0];
	[tilespmem:s20+$0x2040 ss:$0x81] =	vst.msk $0xffff, v1  }
0x42: {  	v6 =	vld [tilespmem:s19+$0xFFFFFFE0];
	[tilespmem:s20+$0x2850 ss:$0x81] =	vst.msk $0xffff, v2  }
0x43: {  	s23 =	sshra.s32 s21, $0x2;
	s21 =	smov.u32 s22;
	v7 =	vld [tilespmem:s19+$0xFFFFFFF0];
	[tilespmem:s20+$0x3060 ss:$0x81] =	vst.msk $0xffff, v3  }
.Ltmp3:
0x44: {  	v1 =	vld [tilespmem:s19+$0x0];
	[tilespmem:s20+$0x0 ss:$0x81] =	vst.msk $0xffff, v0;
	s20 =	sadd.s32 s23, s18;
	(pc) =	sbr.rel @p1 .LBB1_3-.Ltmp3, $4  }
0x45: {  	v2 =	vld [tilespmem:s19+$0x10];
	[tilespmem:s20+$0x3870 ss:$0x81] =	vst.msk $0xffff, v4  }
0x46: {  	[tilespmem:s20+$0x810 ss:$0x81] =	vst.msk $0xffff, v5;
	v3 =	vld [tilespmem:s19+$0x20]  }
0x47: {  	v0 =	vld [tilespmem:s19+$0xFFFFFFC0];
	[tilespmem:s20+$0x1020 ss:$0x81] =	vst.msk $0xffff, v6;
	s19 =	sadd.s32 $0x80, s19  }
0x48: {  	s22 =	sadd.s32 $0x4, s22;
	v4 =	vld [tilespmem:s19+$0x30];
	[tilespmem:s20+$0x1830 ss:$0x81] =	vst.msk $0xffff, v7  }
.Ltmp4:
0x49: {  	_ = 	snop;
	(pc) =	sbr.rel .LBB1_4-.Ltmp4, $1  }
0x4a: {  	_ =	sdelay $0x3  }
.LBB1_6:
0x4b: {  	_ =	sfence.sel $0x180000  }
0x4c: {  	s2 =	simm.s32 $0x1;
	[bflag:$0x0] =	sbarrier.arrive $0xFFFF  }
0x4d: {  	s31 =	simm.s32 $0x2;
	[sflag:s2] =	ssyncpa.u1 $0x1  }
0x4e: {  	[sflag:s31] =	ssyncpa.u1 $0x1  }
0x4f: {  	p0 =	sne.s32 s0, $0x0;
	_ =	strace $0x9000004A  }
0x50: {  	s0 =	sadd.s32 @!p0 $0x100000, s1;
	[bflag:$0x2] =	sbarrier.arrive $0xFFFF  }
0x51: {  	[sflag:s0] =	ssyncadd.tile.s32 @!p0 $0x1;
	_ =	shalt  }
.Lfunc_end1:
_tile_overlayer_lowered:
.L_overlay_start_2:
0x52: {  	(tag) =	ssettag $0x2  }
0x53: {  	s0 =	rddreg [dreg:$0x0];
	s2 =	stileid.u32  }
0x54: {  	s1 =	rddreg [dreg:$0x1];
	p0 =	sne.s32 s2, $0x0  }
0x55: {  	s3 =	rddreg [dreg:$0x2];
	[bflag:$0x3] =	sbarrier.arrive $0xFFFF;
	s2 =	simm.s32 @!p0 $0x1C01  }
0x56: {  	[timem:s3], [sflag:s2] =	dma.local @!p0 [hbm:s0], s1  }
0x57: {  	s0 =	simm.s32 @!p0 $0x1  }
0x58: {  	_ =	swait.ge @!p0 [sflag:s0], s1  }
0x59: {  	s1 =	ssub.s32 @!p0 $0x0, s1;
	[sflag:s0] =	ssyncset.done @!p0 $0x0  }
0x5a: {  	[sflag:s0] =	ssyncadd.s32 @!p0 s1  }
0x5b: {  	[bflag:$0x3] =	sbarrier.arrive $0xFFFF  }
0x5c: {  	_ =	shalt  }

</sc_bundles>
